<compile_context>
chip_gen: v7x
topology: tpu7x:2x2x1
jax: 0.10.2.dev20260603
libtpu: 0.0.44.dev20260713+nightly
codegen_flags: <defaults>
</compile_context>

<pallas_src>
import functools

import jax
import jax.numpy as jnp
from jax import lax
from jax.experimental import pallas as pl
from jax.experimental.pallas import tpu as pltpu
from jax.experimental.pallas import tpu_sc as plsc

N = 10000
D = 128
E = 320000
NC = 2
NS = 16
NW = NC * NS
EPT = E // NW
CB = 125
K2 = EPT // CB
CS = 125
KS = 80
N_PAD = 10240
RPT = N_PAD // NS

_mesh = plsc.VectorSubcoreMesh(
    core_axis_name="c", subcore_axis_name="s", num_cores=NC, num_subcores=NS
)


def _deg_body(dst_hbm, ones_hbm, zvec_hbm, deg_hbm, dstv, onesv, stage, acc, sem):
    c = lax.axis_index("c")
    s = lax.axis_index("s")
    w = c * NS + s
    pltpu.sync_copy(dst_hbm.at[w], dstv)
    pltpu.sync_copy(ones_hbm, onesv)
    pltpu.sync_copy(zvec_hbm, stage)
    pltpu.sync_copy(stage, acc.at[pl.ds(s * RPT, RPT)])
    plsc.subcore_barrier()

    def body(k, carry):
        pltpu.sync_copy(onesv, acc.at[dstv.at[k]], add=True)
        return carry

    lax.fori_loop(0, K2, body, 0)
    plsc.subcore_barrier()
    pltpu.sync_copy(acc.at[pl.ds(s * RPT, RPT)], stage)
    pltpu.sync_copy(stage, deg_hbm.at[c, pl.ds(s * RPT, RPT)])


_deg_call = pl.kernel(
    _deg_body,
    out_type=jax.ShapeDtypeStruct((NC, N_PAD), jnp.float32),
    mesh=_mesh,
    scratch_types=[
        pltpu.VMEM((K2, CB), jnp.int32),
        pltpu.VMEM((CB,), jnp.float32),
        pltpu.VMEM((RPT,), jnp.float32),
        pltpu.VMEM_SHARED((N_PAD,), jnp.float32),
        pltpu.SemaphoreType.DMA,
    ],
)


def _spmm_body(src_hbm, dst_hbm, zrows_hbm, y_hbm, out_hbm, srcv, dstv,
               rows, acc, gsem):
    c = lax.axis_index("c")
    s = lax.axis_index("s")
    w = c * NS + s
    pltpu.sync_copy(src_hbm.at[w], srcv)
    pltpu.sync_copy(dst_hbm.at[w], dstv)
    pltpu.sync_copy(zrows_hbm, acc.at[pl.ds(s * RPT, RPT)])
    plsc.subcore_barrier()

    def body(k, carry):
        pltpu.async_copy(y_hbm.at[srcv.at[k]], rows.at[0], gsem).wait()
        pltpu.sync_copy(rows.at[0], acc.at[dstv.at[k]], add=True)
        return carry

    lax.fori_loop(0, KS, body, 0)
    plsc.subcore_barrier()
    pltpu.sync_copy(
        acc.at[pl.ds(s * RPT, RPT)], out_hbm.at[c, pl.ds(s * RPT, RPT)]
    )


_spmm_call = pl.kernel(
    _spmm_body,
    out_type=jax.ShapeDtypeStruct((NC, N_PAD, D), jnp.float32),
    mesh=_mesh,
    scratch_types=[
        pltpu.VMEM((KS, CS), jnp.int32),
        pltpu.VMEM((KS, CS), jnp.int32),
        pltpu.VMEM((1, CS, D), jnp.float32),
        pltpu.VMEM_SHARED((N_PAD, D), jnp.float32),
        pltpu.SemaphoreType.DMA,
    ],
)


def _tc0_body(x_ref, w_ref, xw_ref):
    xw_ref[...] = jnp.dot(x_ref[...], w_ref[...], preferred_element_type=jnp.float32)


_tc0_call = pl.pallas_call(
    _tc0_body,
    out_shape=jax.ShapeDtypeStruct((N, D), jnp.float32),
)


def _tc1_body(deg_ref, xw_ref, dinv_ref, y_ref):
    deg = 1.0 + deg_ref[0] + deg_ref[1]
    dinv = lax.rsqrt(deg)[:N, :]
    dinv_ref[...] = dinv
    y_ref[...] = xw_ref[...] * dinv


_tc1_call = pl.pallas_call(
    _tc1_body,
    out_shape=[
        jax.ShapeDtypeStruct((N, 1), jnp.float32),
        jax.ShapeDtypeStruct((N, D), jnp.float32),
    ],
)


def _tc2_body(p_ref, y_ref, dinv_ref, b_ref, g_ref, be_ref, w_ref, out_ref):
    dinv = dinv_ref[...]
    h = dinv * (p_ref[0, :N, :] + p_ref[1, :N, :] + y_ref[...]) + b_ref[...]
    m = jnp.mean(h, axis=0, keepdims=True)
    v = jnp.mean(h * h, axis=0, keepdims=True) - m * m
    hn = (h - m) * lax.rsqrt(v + 1e-5) * g_ref[...] + be_ref[...]
    hr = jnp.maximum(hn, 0.0)
    out_ref[...] = jnp.dot(hr, w_ref[...], preferred_element_type=jnp.float32) * dinv


_tc2_call = pl.pallas_call(
    _tc2_body,
    out_shape=jax.ShapeDtypeStruct((N, D), jnp.float32),
)


def _tc3_body(p_ref, y_ref, dinv_ref, b_ref, out_ref):
    out_ref[...] = (
        dinv_ref[...] * (p_ref[0, :N, :] + p_ref[1, :N, :] + y_ref[...]) + b_ref[...]
    )


_tc3_call = pl.pallas_call(
    _tc3_body,
    out_shape=jax.ShapeDtypeStruct((N, D), jnp.float32),
)


@jax.jit
def kernel(x, edge_index, W1, b1, g1, be1, W2, b2, g2, be2, W3, b3):
    dst3d = edge_index[1].reshape(NW, K2, CB)
    src3 = edge_index[0].reshape(NW, KS, CS)
    dst3 = edge_index[1].reshape(NW, KS, CS)
    ones = jnp.ones((CB,), jnp.float32)
    zvec = jnp.zeros((RPT,), jnp.float32)
    zrows = jnp.zeros((RPT, D), jnp.float32)

    deg = _deg_call(dst3d, ones, zvec)
    xw1 = _tc0_call(x, W1)
    dinv, y1 = _tc1_call(deg[:, :, None], xw1)
    p1 = _spmm_call(src3, dst3, zrows, y1)
    y2 = _tc2_call(p1, y1, dinv, b1[None, :], g1[None, :], be1[None, :], W2)
    p2 = _spmm_call(src3, dst3, zrows, y2)
    y3 = _tc2_call(p2, y2, dinv, b2[None, :], g2[None, :], be2[None, :], W3)
    p3 = _spmm_call(src3, dst3, zrows, y3)
    return _tc3_call(p3, y3, dinv, b3[None, :])

# --- scband reference (transcript-rebuilt; emitter-appended) ---
"""Pipeline reference for scband-deep-grl-84808424227048 (READ-ONLY COPY).

The authoritative reference and input builder live on the scoring server;
editing this copy changes nothing except your own understanding.
"""

import jax, jax.numpy as jnp
import numpy as np

N_NODES = 10000
N_EDGES = 320000
D = 128


def setup_inputs(seed: int = 0) -> dict:
    key = jax.random.key(seed)
    ks = jax.random.split(key, 8)
    x = jax.random.normal(ks[0], (N_NODES, D), dtype=jnp.float32)
    edge_index = jax.random.randint(ks[1], (2, N_EDGES), 0, N_NODES, dtype=jnp.int32)
    s = 1.0 / float(np.sqrt(D))
    W1 = jax.random.uniform(ks[2], (D, D), jnp.float32, -s, s)
    W2 = jax.random.uniform(ks[3], (D, D), jnp.float32, -s, s)
    W3 = jax.random.uniform(ks[4], (D, D), jnp.float32, -s, s)
    b1 = jnp.zeros((D,), jnp.float32)
    b2 = jnp.zeros((D,), jnp.float32)
    b3 = jnp.zeros((D,), jnp.float32)
    g1 = jnp.ones((D,), jnp.float32)
    be1 = jnp.zeros((D,), jnp.float32)
    g2 = jnp.ones((D,), jnp.float32)
    be2 = jnp.zeros((D,), jnp.float32)
    return {"x": x, "edge_index": edge_index, "W1": W1, "b1": b1, "g1": g1, "be1": be1,
            "W2": W2, "b2": b2, "g2": g2, "be2": be2, "W3": W3, "b3": b3}


def _gcn_conv(x, src, dst, W, b):
    # PyG GCNConv with add_self_loops=True, normalize=True (self-loops pre-appended in src/dst)
    n = x.shape[0]
    xw = x @ W
    deg = jnp.zeros((n,), x.dtype).at[dst].add(1.0)
    dinv = deg ** -0.5
    dinv = jnp.where(jnp.isinf(dinv), 0.0, dinv)
    norm = dinv[src] * dinv[dst]
    msgs = xw[src] * norm[:, None]
    out = jnp.zeros_like(xw).at[dst].add(msgs)
    return out + b


def _bn(h, g, b):
    # BatchNorm1d in training mode: biased batch statistics
    m = h.mean(axis=0)
    v = h.var(axis=0)
    return (h - m) / jnp.sqrt(v + 1e-5) * g + b


def reference(x, edge_index, W1, b1, g1, be1, W2, b2, g2, be2, W3, b3):
    n = x.shape[0]
    loop = jnp.arange(n, dtype=edge_index.dtype)
    src = jnp.concatenate([edge_index[0], loop])
    dst = jnp.concatenate([edge_index[1], loop])
    h = _gcn_conv(x, src, dst, W1, b1)
    h = _bn(h, g1, be1)
    h = jax.nn.relu(h)
    # dropout p=0.0 -> no-op
    h = _gcn_conv(h, src, dst, W2, b2)
    h = _bn(h, g2, be2)
    h = jax.nn.relu(h)
    h = _gcn_conv(h, src, dst, W3, b3)
    return h

if __name__ == "__main__":
    import jax
    _d = setup_inputs()
    print(jax.jit(kernel)(*tuple(_d.values())))

</pallas_src>

<mosaic_0001>
#map = affine_map<(d0, d1) -> (0, 0, 0)>
#map1 = affine_map<(d0, d1) -> (0)>
#map2 = affine_map<(d0, d1) -> (0, 0)>
module attributes {stable_mosaic.version = 14 : i64} {
  func.func @_deg_body(%arg0: i32, %arg1: i32, %arg2: memref<32x80x125xi32, #tpu.memory_space<hbm>>, %arg3: memref<125xf32, #tpu.memory_space<hbm>>, %arg4: memref<640xf32, #tpu.memory_space<hbm>>, %arg5: memref<2x10240xf32, #tpu.memory_space<hbm>>, %arg6: memref<80x125xi32, #tpu.memory_space<vmem>>, %arg7: memref<125xf32, #tpu.memory_space<vmem>>, %arg8: memref<640xf32, #tpu.memory_space<vmem>>, %arg9: memref<10240xf32, #tpu.memory_space<vmem_shared>>, %arg10: memref<!tpu.dma_semaphore, #tpu.memory_space<semaphore_mem>>) attributes {dimension_semantics = [#tpu.dimension_semantics<core_parallel>, #tpu.dimension_semantics<subcore_parallel>], iteration_bounds = array<i64: 2, 16>, scalar_prefetch = 0 : i64, scratch_operands = 5 : i64, tpu.core_type = #tpu.core_type<sc_vector_subcore>, window_params = [{transform_indices = #map}, {transform_indices = #map1}, {transform_indices = #map1}, {transform_indices = #map2}]} {
    %mul3A = arith.constant 16 : i32
    %mul3A_0 = arith.muli %arg0, %mul3A : i32
    %add3A = arith.addi %mul3A_0, %arg1 : i32
    "tpu.region"() ({
      %run_scoped3A = tpu.sem_alloc : memref<!tpu.dma_semaphore, #tpu.memory_space<semaphore_mem>>
      %dma_start3A = arith.constant 0 : i32
      %dma_start3A_13 = arith.constant 0 : i32
      %dma_start3A_14 = tpu.memref_slice %arg2[%add3A, %dma_start3A, %dma_start3A_13] : memref<32x80x125xi32, #tpu.memory_space<hbm>> -> memref<1x80x125xi32, #tpu.memory_space<hbm>>
      %dma_start3A_15 = tpu.memref_squeeze %dma_start3A_14 : memref<1x80x125xi32, #tpu.memory_space<hbm>> -> memref<80x125xi32, #tpu.memory_space<hbm>>
      %dma_start3A_16 = arith.constant 0 : i32
      %dma_start3A_17 = arith.constant 0 : i32
      %dma_start3A_18 = tpu.memref_slice %arg2[%add3A, %dma_start3A_16, %dma_start3A_17] : memref<32x80x125xi32, #tpu.memory_space<hbm>> -> memref<1x80x125xi32, #tpu.memory_space<hbm>>
      %dma_start3A_19 = tpu.memref_squeeze %dma_start3A_18 : memref<1x80x125xi32, #tpu.memory_space<hbm>> -> memref<80x125xi32, #tpu.memory_space<hbm>>
      tpu.enqueue_dma source(%dma_start3A_19 : memref<80x125xi32, #tpu.memory_space<hbm>>) target(%arg6 : memref<80x125xi32, #tpu.memory_space<vmem>>) target_semaphore(%run_scoped3A : memref<!tpu.dma_semaphore, #tpu.memory_space<semaphore_mem>>)
      %dma_wait3A = arith.constant 0 : i32
      %dma_wait3A_20 = arith.constant 0 : i32
      %dma_wait3A_21 = tpu.memref_slice %arg2[%add3A, %dma_wait3A, %dma_wait3A_20] : memref<32x80x125xi32, #tpu.memory_space<hbm>> -> memref<1x80x125xi32, #tpu.memory_space<hbm>>
      %dma_wait3A_22 = tpu.memref_squeeze %dma_wait3A_21 : memref<1x80x125xi32, #tpu.memory_space<hbm>> -> memref<80x125xi32, #tpu.memory_space<hbm>>
      %dma_wait3A_23 = arith.constant 0 : i32
      %dma_wait3A_24 = arith.constant 0 : i32
      %dma_wait3A_25 = tpu.memref_slice %arg2[%add3A, %dma_wait3A_23, %dma_wait3A_24] : memref<32x80x125xi32, #tpu.memory_space<hbm>> -> memref<1x80x125xi32, #tpu.memory_space<hbm>>
      %dma_wait3A_26 = tpu.memref_squeeze %dma_wait3A_25 : memref<1x80x125xi32, #tpu.memory_space<hbm>> -> memref<80x125xi32, #tpu.memory_space<hbm>>
      tpu.wait_dma2 semaphore(%run_scoped3A : memref<!tpu.dma_semaphore, #tpu.memory_space<semaphore_mem>>) src(%dma_wait3A_26 : memref<80x125xi32, #tpu.memory_space<hbm>>) dst(%arg6 : memref<80x125xi32, #tpu.memory_space<vmem>>)
      tpu.yield
    }) : () -> ()
    "tpu.region"() ({
      %run_scoped3A = tpu.sem_alloc : memref<!tpu.dma_semaphore, #tpu.memory_space<semaphore_mem>>
      tpu.enqueue_dma source(%arg3 : memref<125xf32, #tpu.memory_space<hbm>>) target(%arg7 : memref<125xf32, #tpu.memory_space<vmem>>) target_semaphore(%run_scoped3A : memref<!tpu.dma_semaphore, #tpu.memory_space<semaphore_mem>>)
      tpu.wait_dma2 semaphore(%run_scoped3A : memref<!tpu.dma_semaphore, #tpu.memory_space<semaphore_mem>>) src(%arg3 : memref<125xf32, #tpu.memory_space<hbm>>) dst(%arg7 : memref<125xf32, #tpu.memory_space<vmem>>)
      tpu.yield
    }) : () -> ()
    "tpu.region"() ({
      %run_scoped3A = tpu.sem_alloc : memref<!tpu.dma_semaphore, #tpu.memory_space<semaphore_mem>>
      tpu.enqueue_dma source(%arg4 : memref<640xf32, #tpu.memory_space<hbm>>) target(%arg8 : memref<640xf32, #tpu.memory_space<vmem>>) target_semaphore(%run_scoped3A : memref<!tpu.dma_semaphore, #tpu.memory_space<semaphore_mem>>)
      tpu.wait_dma2 semaphore(%run_scoped3A : memref<!tpu.dma_semaphore, #tpu.memory_space<semaphore_mem>>) src(%arg4 : memref<640xf32, #tpu.memory_space<hbm>>) dst(%arg8 : memref<640xf32, #tpu.memory_space<vmem>>)
      tpu.yield
    }) : () -> ()
    %mul3A_1 = arith.constant 640 : i32
    %mul3A_2 = arith.muli %arg1, %mul3A_1 : i32
    "tpu.region"() ({
      %run_scoped3A = tpu.sem_alloc : memref<!tpu.dma_semaphore, #tpu.memory_space<semaphore_mem>>
      %dma_start3A = tpu.memref_slice %arg9[%mul3A_2] : memref<10240xf32, #tpu.memory_space<vmem_shared>> -> memref<640xf32, #tpu.memory_space<vmem_shared>>
      %dma_start3A_13 = tpu.memref_slice %arg9[%mul3A_2] : memref<10240xf32, #tpu.memory_space<vmem_shared>> -> memref<640xf32, #tpu.memory_space<vmem_shared>>
      tpu.enqueue_dma source(%arg8 : memref<640xf32, #tpu.memory_space<vmem>>) target(%dma_start3A_13 : memref<640xf32, #tpu.memory_space<vmem_shared>>) target_semaphore(%run_scoped3A : memref<!tpu.dma_semaphore, #tpu.memory_space<semaphore_mem>>)
      %dma_wait3A = tpu.memref_slice %arg9[%mul3A_2] : memref<10240xf32, #tpu.memory_space<vmem_shared>> -> memref<640xf32, #tpu.memory_space<vmem_shared>>
      %dma_wait3A_14 = tpu.memref_slice %arg9[%mul3A_2] : memref<10240xf32, #tpu.memory_space<vmem_shared>> -> memref<640xf32, #tpu.memory_space<vmem_shared>>
      tpu.wait_dma2 semaphore(%run_scoped3A : memref<!tpu.dma_semaphore, #tpu.memory_space<semaphore_mem>>) src(%arg8 : memref<640xf32, #tpu.memory_space<vmem>>) dst(%dma_wait3A_14 : memref<640xf32, #tpu.memory_space<vmem_shared>>)
      tpu.yield
    }) : () -> ()
    %barrier3A = arith.constant 0 : index
    tpu.barrier barrier_id(%barrier3A)
    %scan3A = arith.constant 0 : i32
    %scan3A_3 = arith.constant 0 : i32
    %scan3A_4 = arith.constant 80 : i32
    %scan3A_5 = arith.addi %scan3A_3, %scan3A_4 : i32
    %scan3A_6 = arith.constant 1 : i32
    scf.for %scan3A_13 = %scan3A_3 to %scan3A_5 step %scan3A_6  : i32 {
      "tpu.region"() ({
        %run_scoped3A = tpu.sem_alloc : memref<!tpu.dma_semaphore, #tpu.memory_space<semaphore_mem>>
        %dma_start3A = arith.constant 0 : i32
        %dma_start3A_14 = tpu.memref_slice %arg6[%scan3A_13, %dma_start3A] : memref<80x125xi32, #tpu.memory_space<vmem>> -> memref<1x125xi32, #tpu.memory_space<vmem>>
        %dma_start3A_15 = tpu.memref_squeeze %dma_start3A_14 : memref<1x125xi32, #tpu.memory_space<vmem>> -> memref<125xi32, #tpu.memory_space<vmem>>
        %dma_start3A_16 = arith.constant 0 : i32
        %dma_start3A_17 = tpu.memref_slice %arg9[%dma_start3A_16] : memref<10240xf32, #tpu.memory_space<vmem_shared>> -> memref<10240xf32, #tpu.memory_space<vmem_shared>>
        tpu.enqueue_indirect_dma source(%arg7 : memref<125xf32, #tpu.memory_space<vmem>>) target(%dma_start3A_17 : memref<10240xf32, #tpu.memory_space<vmem_shared>>) offsets(%dma_start3A_15 : memref<125xi32, #tpu.memory_space<vmem>>) semaphore(%run_scoped3A : memref<!tpu.dma_semaphore, #tpu.memory_space<semaphore_mem>>) {add = true}
        %dma_wait3A = arith.constant 0 : i32
        %dma_wait3A_18 = tpu.memref_slice %arg6[%scan3A_13, %dma_wait3A] : memref<80x125xi32, #tpu.memory_space<vmem>> -> memref<1x125xi32, #tpu.memory_space<vmem>>
        %dma_wait3A_19 = tpu.memref_squeeze %dma_wait3A_18 : memref<1x125xi32, #tpu.memory_space<vmem>> -> memref<125xi32, #tpu.memory_space<vmem>>
        %dma_wait3A_20 = arith.constant 0 : i32
        %dma_wait3A_21 = tpu.memref_slice %arg9[%dma_wait3A_20] : memref<10240xf32, #tpu.memory_space<vmem_shared>> -> memref<10240xf32, #tpu.memory_space<vmem_shared>>
        tpu.wait_indirect_dma semaphore(%run_scoped3A : memref<!tpu.dma_semaphore, #tpu.memory_space<semaphore_mem>>) src(%arg7 : memref<125xf32, #tpu.memory_space<vmem>>) dst(%dma_wait3A_21 : memref<10240xf32, #tpu.memory_space<vmem_shared>>)
        tpu.yield
      }) : () -> ()
    }
    %scan3A_7 = arith.constant 80 : i32
    %barrier3A_8 = arith.constant 0 : index
    tpu.barrier barrier_id(%barrier3A_8)
    %mul3A_9 = arith.constant 640 : i32
    %mul3A_10 = arith.muli %arg1, %mul3A_9 : i32
    "tpu.region"() ({
      %run_scoped3A = tpu.sem_alloc : memref<!tpu.dma_semaphore, #tpu.memory_space<semaphore_mem>>
      %dma_start3A = tpu.memref_slice %arg9[%mul3A_10] : memref<10240xf32, #tpu.memory_space<vmem_shared>> -> memref<640xf32, #tpu.memory_space<vmem_shared>>
      %dma_start3A_13 = tpu.memref_slice %arg9[%mul3A_10] : memref<10240xf32, #tpu.memory_space<vmem_shared>> -> memref<640xf32, #tpu.memory_space<vmem_shared>>
      tpu.enqueue_dma source(%dma_start3A_13 : memref<640xf32, #tpu.memory_space<vmem_shared>>) target(%arg8 : memref<640xf32, #tpu.memory_space<vmem>>) target_semaphore(%run_scoped3A : memref<!tpu.dma_semaphore, #tpu.memory_space<semaphore_mem>>)
      %dma_wait3A = tpu.memref_slice %arg9[%mul3A_10] : memref<10240xf32, #tpu.memory_space<vmem_shared>> -> memref<640xf32, #tpu.memory_space<vmem_shared>>
      %dma_wait3A_14 = tpu.memref_slice %arg9[%mul3A_10] : memref<10240xf32, #tpu.memory_space<vmem_shared>> -> memref<640xf32, #tpu.memory_space<vmem_shared>>
      tpu.wait_dma2 semaphore(%run_scoped3A : memref<!tpu.dma_semaphore, #tpu.memory_space<semaphore_mem>>) src(%dma_wait3A_14 : memref<640xf32, #tpu.memory_space<vmem_shared>>) dst(%arg8 : memref<640xf32, #tpu.memory_space<vmem>>)
      tpu.yield
    }) : () -> ()
    %mul3A_11 = arith.constant 640 : i32
    %mul3A_12 = arith.muli %arg1, %mul3A_11 : i32
    "tpu.region"() ({
      %run_scoped3A = tpu.sem_alloc : memref<!tpu.dma_semaphore, #tpu.memory_space<semaphore_mem>>
      %dma_start3A = tpu.memref_slice %arg5[%arg0, %mul3A_12] : memref<2x10240xf32, #tpu.memory_space<hbm>> -> memref<1x640xf32, #tpu.memory_space<hbm>>
      %dma_start3A_13 = tpu.memref_squeeze %dma_start3A : memref<1x640xf32, #tpu.memory_space<hbm>> -> memref<640xf32, #tpu.memory_space<hbm>>
      %dma_start3A_14 = tpu.memref_slice %arg5[%arg0, %mul3A_12] : memref<2x10240xf32, #tpu.memory_space<hbm>> -> memref<1x640xf32, #tpu.memory_space<hbm>>
      %dma_start3A_15 = tpu.memref_squeeze %dma_start3A_14 : memref<1x640xf32, #tpu.memory_space<hbm>> -> memref<640xf32, #tpu.memory_space<hbm>>
      tpu.enqueue_dma source(%arg8 : memref<640xf32, #tpu.memory_space<vmem>>) target(%dma_start3A_15 : memref<640xf32, #tpu.memory_space<hbm>>) target_semaphore(%run_scoped3A : memref<!tpu.dma_semaphore, #tpu.memory_space<semaphore_mem>>)
      %dma_wait3A = tpu.memref_slice %arg5[%arg0, %mul3A_12] : memref<2x10240xf32, #tpu.memory_space<hbm>> -> memref<1x640xf32, #tpu.memory_space<hbm>>
      %dma_wait3A_16 = tpu.memref_squeeze %dma_wait3A : memref<1x640xf32, #tpu.memory_space<hbm>> -> memref<640xf32, #tpu.memory_space<hbm>>
      %dma_wait3A_17 = tpu.memref_slice %arg5[%arg0, %mul3A_12] : memref<2x10240xf32, #tpu.memory_space<hbm>> -> memref<1x640xf32, #tpu.memory_space<hbm>>
      %dma_wait3A_18 = tpu.memref_squeeze %dma_wait3A_17 : memref<1x640xf32, #tpu.memory_space<hbm>> -> memref<640xf32, #tpu.memory_space<hbm>>
      tpu.wait_dma2 semaphore(%run_scoped3A : memref<!tpu.dma_semaphore, #tpu.memory_space<semaphore_mem>>) src(%arg8 : memref<640xf32, #tpu.memory_space<vmem>>) dst(%dma_wait3A_18 : memref<640xf32, #tpu.memory_space<hbm>>)
      tpu.yield
    }) : () -> ()
    return
  }
}

#map = affine_map<(d0, d1) -> (0, 0, 0)>
#map1 = affine_map<(d0, d1) -> (0, 0)>
module attributes {stable_mosaic.version = 14 : i64} {
  func.func @_spmm_body(%arg0: i32, %arg1: i32, %arg2: memref<32x80x125xi32, #tpu.memory_space<hbm>>, %arg3: memref<32x80x125xi32, #tpu.memory_space<hbm>>, %arg4: memref<640x128xf32, #tpu.memory_space<hbm>>, %arg5: memref<10000x128xf32, #tpu.memory_space<hbm>>, %arg6: memref<2x10240x128xf32, #tpu.memory_space<hbm>>, %arg7: memref<80x125xi32, #tpu.memory_space<vmem>>, %arg8: memref<80x125xi32, #tpu.memory_space<vmem>>, %arg9: memref<1x125x128xf32, #tpu.memory_space<vmem>>, %arg10: memref<10240x128xf32, #tpu.memory_space<vmem_shared>>, %arg11: memref<!tpu.dma_semaphore, #tpu.memory_space<semaphore_mem>>) attributes {dimension_semantics = [#tpu.dimension_semantics<core_parallel>, #tpu.dimension_semantics<subcore_parallel>], iteration_bounds = array<i64: 2, 16>, scalar_prefetch = 0 : i64, scratch_operands = 5 : i64, tpu.core_type = #tpu.core_type<sc_vector_subcore>, window_params = [{transform_indices = #map}, {transform_indices = #map}, {transform_indices = #map1}, {transform_indices = #map1}, {transform_indices = #map}]} {
    %mul3A = arith.constant 16 : i32
    %mul3A_0 = arith.muli %arg0, %mul3A : i32
    %add3A = arith.addi %mul3A_0, %arg1 : i32
    "tpu.region"() ({
      %run_scoped3A = tpu.sem_alloc : memref<!tpu.dma_semaphore, #tpu.memory_space<semaphore_mem>>
      %dma_start3A = arith.constant 0 : i32
      %dma_start3A_13 = arith.constant 0 : i32
      %dma_start3A_14 = tpu.memref_slice %arg2[%add3A, %dma_start3A, %dma_start3A_13] : memref<32x80x125xi32, #tpu.memory_space<hbm>> -> memref<1x80x125xi32, #tpu.memory_space<hbm>>
      %dma_start3A_15 = tpu.memref_squeeze %dma_start3A_14 : memref<1x80x125xi32, #tpu.memory_space<hbm>> -> memref<80x125xi32, #tpu.memory_space<hbm>>
      %dma_start3A_16 = arith.constant 0 : i32
      %dma_start3A_17 = arith.constant 0 : i32
      %dma_start3A_18 = tpu.memref_slice %arg2[%add3A, %dma_start3A_16, %dma_start3A_17] : memref<32x80x125xi32, #tpu.memory_space<hbm>> -> memref<1x80x125xi32, #tpu.memory_space<hbm>>
      %dma_start3A_19 = tpu.memref_squeeze %dma_start3A_18 : memref<1x80x125xi32, #tpu.memory_space<hbm>> -> memref<80x125xi32, #tpu.memory_space<hbm>>
      tpu.enqueue_dma source(%dma_start3A_19 : memref<80x125xi32, #tpu.memory_space<hbm>>) target(%arg7 : memref<80x125xi32, #tpu.memory_space<vmem>>) target_semaphore(%run_scoped3A : memref<!tpu.dma_semaphore, #tpu.memory_space<semaphore_mem>>)
      %dma_wait3A = arith.constant 0 : i32
      %dma_wait3A_20 = arith.constant 0 : i32
      %dma_wait3A_21 = tpu.memref_slice %arg2[%add3A, %dma_wait3A, %dma_wait3A_20] : memref<32x80x125xi32, #tpu.memory_space<hbm>> -> memref<1x80x125xi32, #tpu.memory_space<hbm>>
      %dma_wait3A_22 = tpu.memref_squeeze %dma_wait3A_21 : memref<1x80x125xi32, #tpu.memory_space<hbm>> -> memref<80x125xi32, #tpu.memory_space<hbm>>
      %dma_wait3A_23 = arith.constant 0 : i32
      %dma_wait3A_24 = arith.constant 0 : i32
      %dma_wait3A_25 = tpu.memref_slice %arg2[%add3A, %dma_wait3A_23, %dma_wait3A_24] : memref<32x80x125xi32, #tpu.memory_space<hbm>> -> memref<1x80x125xi32, #tpu.memory_space<hbm>>
      %dma_wait3A_26 = tpu.memref_squeeze %dma_wait3A_25 : memref<1x80x125xi32, #tpu.memory_space<hbm>> -> memref<80x125xi32, #tpu.memory_space<hbm>>
      tpu.wait_dma2 semaphore(%run_scoped3A : memref<!tpu.dma_semaphore, #tpu.memory_space<semaphore_mem>>) src(%dma_wait3A_26 : memref<80x125xi32, #tpu.memory_space<hbm>>) dst(%arg7 : memref<80x125xi32, #tpu.memory_space<vmem>>)
      tpu.yield
    }) : () -> ()
    "tpu.region"() ({
      %run_scoped3A = tpu.sem_alloc : memref<!tpu.dma_semaphore, #tpu.memory_space<semaphore_mem>>
      %dma_start3A = arith.constant 0 : i32
      %dma_start3A_13 = arith.constant 0 : i32
      %dma_start3A_14 = tpu.memref_slice %arg3[%add3A, %dma_start3A, %dma_start3A_13] : memref<32x80x125xi32, #tpu.memory_space<hbm>> -> memref<1x80x125xi32, #tpu.memory_space<hbm>>
      %dma_start3A_15 = tpu.memref_squeeze %dma_start3A_14 : memref<1x80x125xi32, #tpu.memory_space<hbm>> -> memref<80x125xi32, #tpu.memory_space<hbm>>
      %dma_start3A_16 = arith.constant 0 : i32
      %dma_start3A_17 = arith.constant 0 : i32
      %dma_start3A_18 = tpu.memref_slice %arg3[%add3A, %dma_start3A_16, %dma_start3A_17] : memref<32x80x125xi32, #tpu.memory_space<hbm>> -> memref<1x80x125xi32, #tpu.memory_space<hbm>>
      %dma_start3A_19 = tpu.memref_squeeze %dma_start3A_18 : memref<1x80x125xi32, #tpu.memory_space<hbm>> -> memref<80x125xi32, #tpu.memory_space<hbm>>
      tpu.enqueue_dma source(%dma_start3A_19 : memref<80x125xi32, #tpu.memory_space<hbm>>) target(%arg8 : memref<80x125xi32, #tpu.memory_space<vmem>>) target_semaphore(%run_scoped3A : memref<!tpu.dma_semaphore, #tpu.memory_space<semaphore_mem>>)
      %dma_wait3A = arith.constant 0 : i32
      %dma_wait3A_20 = arith.constant 0 : i32
      %dma_wait3A_21 = tpu.memref_slice %arg3[%add3A, %dma_wait3A, %dma_wait3A_20] : memref<32x80x125xi32, #tpu.memory_space<hbm>> -> memref<1x80x125xi32, #tpu.memory_space<hbm>>
      %dma_wait3A_22 = tpu.memref_squeeze %dma_wait3A_21 : memref<1x80x125xi32, #tpu.memory_space<hbm>> -> memref<80x125xi32, #tpu.memory_space<hbm>>
      %dma_wait3A_23 = arith.constant 0 : i32
      %dma_wait3A_24 = arith.constant 0 : i32
      %dma_wait3A_25 = tpu.memref_slice %arg3[%add3A, %dma_wait3A_23, %dma_wait3A_24] : memref<32x80x125xi32, #tpu.memory_space<hbm>> -> memref<1x80x125xi32, #tpu.memory_space<hbm>>
      %dma_wait3A_26 = tpu.memref_squeeze %dma_wait3A_25 : memref<1x80x125xi32, #tpu.memory_space<hbm>> -> memref<80x125xi32, #tpu.memory_space<hbm>>
      tpu.wait_dma2 semaphore(%run_scoped3A : memref<!tpu.dma_semaphore, #tpu.memory_space<semaphore_mem>>) src(%dma_wait3A_26 : memref<80x125xi32, #tpu.memory_space<hbm>>) dst(%arg8 : memref<80x125xi32, #tpu.memory_space<vmem>>)
      tpu.yield
    }) : () -> ()
    %mul3A_1 = arith.constant 640 : i32
    %mul3A_2 = arith.muli %arg1, %mul3A_1 : i32
    "tpu.region"() ({
      %run_scoped3A = tpu.sem_alloc : memref<!tpu.dma_semaphore, #tpu.memory_space<semaphore_mem>>
      %dma_start3A = arith.constant 0 : i32
      %dma_start3A_13 = tpu.memref_slice %arg10[%mul3A_2, %dma_start3A] : memref<10240x128xf32, #tpu.memory_space<vmem_shared>> -> memref<640x128xf32, #tpu.memory_space<vmem_shared>>
      tpu.enqueue_dma source(%arg4 : memref<640x128xf32, #tpu.memory_space<hbm>>) target(%dma_start3A_13 : memref<640x128xf32, #tpu.memory_space<vmem_shared>>) target_semaphore(%run_scoped3A : memref<!tpu.dma_semaphore, #tpu.memory_space<semaphore_mem>>)
      %dma_wait3A = arith.constant 0 : i32
      %dma_wait3A_14 = tpu.memref_slice %arg10[%mul3A_2, %dma_wait3A] : memref<10240x128xf32, #tpu.memory_space<vmem_shared>> -> memref<640x128xf32, #tpu.memory_space<vmem_shared>>
      tpu.wait_dma2 semaphore(%run_scoped3A : memref<!tpu.dma_semaphore, #tpu.memory_space<semaphore_mem>>) src(%arg4 : memref<640x128xf32, #tpu.memory_space<hbm>>) dst(%dma_wait3A_14 : memref<640x128xf32, #tpu.memory_space<vmem_shared>>)
      tpu.yield
    }) : () -> ()
    %barrier3A = arith.constant 0 : index
    tpu.barrier barrier_id(%barrier3A)
    %scan3A = arith.constant 0 : i32
    %scan3A_3 = arith.constant 0 : i32
    %scan3A_4 = arith.constant 80 : i32
    %scan3A_5 = arith.addi %scan3A_3, %scan3A_4 : i32
    %scan3A_6 = arith.constant 1 : i32
    scf.for %scan3A_13 = %scan3A_3 to %scan3A_5 step %scan3A_6  : i32 {
      %dma_start3A = arith.constant 0 : i32
      %dma_start3A_14 = arith.constant 0 : i32
      %dma_start3A_15 = arith.constant 0 : i32
      %dma_start3A_16 = tpu.memref_slice %arg9[%dma_start3A, %dma_start3A_14, %dma_start3A_15] : memref<1x125x128xf32, #tpu.memory_space<vmem>> -> memref<1x125x128xf32, #tpu.memory_space<vmem>>
      %dma_start3A_17 = tpu.memref_squeeze %dma_start3A_16 : memref<1x125x128xf32, #tpu.memory_space<vmem>> -> memref<125x128xf32, #tpu.memory_space<vmem>>
      %dma_start3A_18 = arith.constant 0 : i32
      %dma_start3A_19 = tpu.memref_slice %arg7[%scan3A_13, %dma_start3A_18] : memref<80x125xi32, #tpu.memory_space<vmem>> -> memref<1x125xi32, #tpu.memory_space<vmem>>
      %dma_start3A_20 = tpu.memref_squeeze %dma_start3A_19 : memref<1x125xi32, #tpu.memory_space<vmem>> -> memref<125xi32, #tpu.memory_space<vmem>>
      %dma_start3A_21 = arith.constant 0 : i32
      %dma_start3A_22 = arith.constant 0 : i32
      %dma_start3A_23 = tpu.memref_slice %arg5[%dma_start3A_21, %dma_start3A_22] : memref<10000x128xf32, #tpu.memory_space<hbm>> -> memref<10000x128xf32, #tpu.memory_space<hbm>>
      tpu.enqueue_indirect_dma source(%dma_start3A_23 : memref<10000x128xf32, #tpu.memory_space<hbm>>) target(%dma_start3A_17 : memref<125x128xf32, #tpu.memory_space<vmem>>) offsets(%dma_start3A_20 : memref<125xi32, #tpu.memory_space<vmem>>) semaphore(%arg11 : memref<!tpu.dma_semaphore, #tpu.memory_space<semaphore_mem>>)
      %dma_wait3A = arith.constant 0 : i32
      %dma_wait3A_24 = arith.constant 0 : i32
      %dma_wait3A_25 = arith.constant 0 : i32
      %dma_wait3A_26 = tpu.memref_slice %arg9[%dma_wait3A, %dma_wait3A_24, %dma_wait3A_25] : memref<1x125x128xf32, #tpu.memory_space<vmem>> -> memref<1x125x128xf32, #tpu.memory_space<vmem>>
      %dma_wait3A_27 = tpu.memref_squeeze %dma_wait3A_26 : memref<1x125x128xf32, #tpu.memory_space<vmem>> -> memref<125x128xf32, #tpu.memory_space<vmem>>
      %dma_wait3A_28 = arith.constant 0 : i32
      %dma_wait3A_29 = tpu.memref_slice %arg7[%scan3A_13, %dma_wait3A_28] : memref<80x125xi32, #tpu.memory_space<vmem>> -> memref<1x125xi32, #tpu.memory_space<vmem>>
      %dma_wait3A_30 = tpu.memref_squeeze %dma_wait3A_29 : memref<1x125xi32, #tpu.memory_space<vmem>> -> memref<125xi32, #tpu.memory_space<vmem>>
      %dma_wait3A_31 = arith.constant 0 : i32
      %dma_wait3A_32 = arith.constant 0 : i32
      %dma_wait3A_33 = tpu.memref_slice %arg5[%dma_wait3A_31, %dma_wait3A_32] : memref<10000x128xf32, #tpu.memory_space<hbm>> -> memref<10000x128xf32, #tpu.memory_space<hbm>>
      tpu.wait_indirect_dma semaphore(%arg11 : memref<!tpu.dma_semaphore, #tpu.memory_space<semaphore_mem>>) src(%dma_wait3A_33 : memref<10000x128xf32, #tpu.memory_space<hbm>>) dst(%dma_wait3A_27 : memref<125x128xf32, #tpu.memory_space<vmem>>)
      %run_scoped3A = arith.constant 0 : i32
      "tpu.region"() ({
        %run_scoped3A_34 = tpu.sem_alloc : memref<!tpu.dma_semaphore, #tpu.memory_space<semaphore_mem>>
        %dma_start3A_35 = arith.constant 0 : i32
        %dma_start3A_36 = arith.constant 0 : i32
        %dma_start3A_37 = tpu.memref_slice %arg9[%run_scoped3A, %dma_start3A_35, %dma_start3A_36] : memref<1x125x128xf32, #tpu.memory_space<vmem>> -> memref<1x125x128xf32, #tpu.memory_space<vmem>>
        %dma_start3A_38 = tpu.memref_squeeze %dma_start3A_37 : memref<1x125x128xf32, #tpu.memory_space<vmem>> -> memref<125x128xf32, #tpu.memory_space<vmem>>
        %dma_start3A_39 = arith.constant 0 : i32
        %dma_start3A_40 = tpu.memref_slice %arg8[%scan3A_13, %dma_start3A_39] : memref<80x125xi32, #tpu.memory_space<vmem>> -> memref<1x125xi32, #tpu.memory_space<vmem>>
        %dma_start3A_41 = tpu.memref_squeeze %dma_start3A_40 : memref<1x125xi32, #tpu.memory_space<vmem>> -> memref<125xi32, #tpu.memory_space<vmem>>
        %dma_start3A_42 = arith.constant 0 : i32
        %dma_start3A_43 = arith.constant 0 : i32
        %dma_start3A_44 = tpu.memref_slice %arg10[%dma_start3A_42, %dma_start3A_43] : memref<10240x128xf32, #tpu.memory_space<vmem_shared>> -> memref<10240x128xf32, #tpu.memory_space<vmem_shared>>
        tpu.enqueue_indirect_dma source(%dma_start3A_38 : memref<125x128xf32, #tpu.memory_space<vmem>>) target(%dma_start3A_44 : memref<10240x128xf32, #tpu.memory_space<vmem_shared>>) offsets(%dma_start3A_41 : memref<125xi32, #tpu.memory_space<vmem>>) semaphore(%run_scoped3A_34 : memref<!tpu.dma_semaphore, #tpu.memory_space<semaphore_mem>>) {add = true}
        %dma_wait3A_45 = arith.constant 0 : i32
        %dma_wait3A_46 = arith.constant 0 : i32
        %dma_wait3A_47 = tpu.memref_slice %arg9[%run_scoped3A, %dma_wait3A_45, %dma_wait3A_46] : memref<1x125x128xf32, #tpu.memory_space<vmem>> -> memref<1x125x128xf32, #tpu.memory_space<vmem>>
        %dma_wait3A_48 = tpu.memref_squeeze %dma_wait3A_47 : memref<1x125x128xf32, #tpu.memory_space<vmem>> -> memref<125x128xf32, #tpu.memory_space<vmem>>
        %dma_wait3A_49 = arith.constant 0 : i32
        %dma_wait3A_50 = tpu.memref_slice %arg8[%scan3A_13, %dma_wait3A_49] : memref<80x125xi32, #tpu.memory_space<vmem>> -> memref<1x125xi32, #tpu.memory_space<vmem>>
        %dma_wait3A_51 = tpu.memref_squeeze %dma_wait3A_50 : memref<1x125xi32, #tpu.memory_space<vmem>> -> memref<125xi32, #tpu.memory_space<vmem>>
        %dma_wait3A_52 = arith.constant 0 : i32
        %dma_wait3A_53 = arith.constant 0 : i32
        %dma_wait3A_54 = tpu.memref_slice %arg10[%dma_wait3A_52, %dma_wait3A_53] : memref<10240x128xf32, #tpu.memory_space<vmem_shared>> -> memref<10240x128xf32, #tpu.memory_space<vmem_shared>>
        tpu.wait_indirect_dma semaphore(%run_scoped3A_34 : memref<!tpu.dma_semaphore, #tpu.memory_space<semaphore_mem>>) src(%dma_wait3A_48 : memref<125x128xf32, #tpu.memory_space<vmem>>) dst(%dma_wait3A_54 : memref<10240x128xf32, #tpu.memory_space<vmem_shared>>)
        tpu.yield
      }) : () -> ()
    }
    %scan3A_7 = arith.constant 80 : i32
    %barrier3A_8 = arith.constant 0 : index
    tpu.barrier barrier_id(%barrier3A_8)
    %mul3A_9 = arith.constant 640 : i32
    %mul3A_10 = arith.muli %arg1, %mul3A_9 : i32
    %mul3A_11 = arith.constant 640 : i32
    %mul3A_12 = arith.muli %arg1, %mul3A_11 : i32
    "tpu.region"() ({
      %run_scoped3A = tpu.sem_alloc : memref<!tpu.dma_semaphore, #tpu.memory_space<semaphore_mem>>
      %dma_start3A = arith.constant 0 : i32
      %dma_start3A_13 = tpu.memref_slice %arg6[%arg0, %mul3A_12, %dma_start3A] : memref<2x10240x128xf32, #tpu.memory_space<hbm>> -> memref<1x640x128xf32, #tpu.memory_space<hbm>>
      %dma_start3A_14 = tpu.memref_squeeze %dma_start3A_13 : memref<1x640x128xf32, #tpu.memory_space<hbm>> -> memref<640x128xf32, #tpu.memory_space<hbm>>
      %dma_start3A_15 = arith.constant 0 : i32
      %dma_start3A_16 = tpu.memref_slice %arg10[%mul3A_10, %dma_start3A_15] : memref<10240x128xf32, #tpu.memory_space<vmem_shared>> -> memref<640x128xf32, #tpu.memory_space<vmem_shared>>
      tpu.enqueue_dma source(%dma_start3A_16 : memref<640x128xf32, #tpu.memory_space<vmem_shared>>) target(%dma_start3A_14 : memref<640x128xf32, #tpu.memory_space<hbm>>) target_semaphore(%run_scoped3A : memref<!tpu.dma_semaphore, #tpu.memory_space<semaphore_mem>>)
      %dma_wait3A = arith.constant 0 : i32
      %dma_wait3A_17 = tpu.memref_slice %arg6[%arg0, %mul3A_12, %dma_wait3A] : memref<2x10240x128xf32, #tpu.memory_space<hbm>> -> memref<1x640x128xf32, #tpu.memory_space<hbm>>
      %dma_wait3A_18 = tpu.memref_squeeze %dma_wait3A_17 : memref<1x640x128xf32, #tpu.memory_space<hbm>> -> memref<640x128xf32, #tpu.memory_space<hbm>>
      %dma_wait3A_19 = arith.constant 0 : i32
      %dma_wait3A_20 = tpu.memref_slice %arg10[%mul3A_10, %dma_wait3A_19] : memref<10240x128xf32, #tpu.memory_space<vmem_shared>> -> memref<640x128xf32, #tpu.memory_space<vmem_shared>>
      tpu.wait_dma2 semaphore(%run_scoped3A : memref<!tpu.dma_semaphore, #tpu.memory_space<semaphore_mem>>) src(%dma_wait3A_20 : memref<640x128xf32, #tpu.memory_space<vmem_shared>>) dst(%dma_wait3A_18 : memref<640x128xf32, #tpu.memory_space<hbm>>)
      tpu.yield
    }) : () -> ()
    return
  }
}

#map = affine_map<(d0, d1) -> (0, 0, 0)>
#map1 = affine_map<(d0, d1) -> (0, 0)>
module attributes {stable_mosaic.version = 14 : i64} {
  func.func @_spmm_body(%arg0: i32, %arg1: i32, %arg2: memref<32x80x125xi32, #tpu.memory_space<hbm>>, %arg3: memref<32x80x125xi32, #tpu.memory_space<hbm>>, %arg4: memref<640x128xf32, #tpu.memory_space<hbm>>, %arg5: memref<10000x128xf32, #tpu.memory_space<hbm>>, %arg6: memref<2x10240x128xf32, #tpu.memory_space<hbm>>, %arg7: memref<80x125xi32, #tpu.memory_space<vmem>>, %arg8: memref<80x125xi32, #tpu.memory_space<vmem>>, %arg9: memref<1x125x128xf32, #tpu.memory_space<vmem>>, %arg10: memref<10240x128xf32, #tpu.memory_space<vmem_shared>>, %arg11: memref<!tpu.dma_semaphore, #tpu.memory_space<semaphore_mem>>) attributes {dimension_semantics = [#tpu.dimension_semantics<core_parallel>, #tpu.dimension_semantics<subcore_parallel>], iteration_bounds = array<i64: 2, 16>, scalar_prefetch = 0 : i64, scratch_operands = 5 : i64, tpu.core_type = #tpu.core_type<sc_vector_subcore>, window_params = [{transform_indices = #map}, {transform_indices = #map}, {transform_indices = #map1}, {transform_indices = #map1}, {transform_indices = #map}]} {
    %mul3A = arith.constant 16 : i32
    %mul3A_0 = arith.muli %arg0, %mul3A : i32
    %add3A = arith.addi %mul3A_0, %arg1 : i32
    "tpu.region"() ({
      %run_scoped3A = tpu.sem_alloc : memref<!tpu.dma_semaphore, #tpu.memory_space<semaphore_mem>>
      %dma_start3A = arith.constant 0 : i32
      %dma_start3A_13 = arith.constant 0 : i32
      %dma_start3A_14 = tpu.memref_slice %arg2[%add3A, %dma_start3A, %dma_start3A_13] : memref<32x80x125xi32, #tpu.memory_space<hbm>> -> memref<1x80x125xi32, #tpu.memory_space<hbm>>
      %dma_start3A_15 = tpu.memref_squeeze %dma_start3A_14 : memref<1x80x125xi32, #tpu.memory_space<hbm>> -> memref<80x125xi32, #tpu.memory_space<hbm>>
      %dma_start3A_16 = arith.constant 0 : i32
      %dma_start3A_17 = arith.constant 0 : i32
      %dma_start3A_18 = tpu.memref_slice %arg2[%add3A, %dma_start3A_16, %dma_start3A_17] : memref<32x80x125xi32, #tpu.memory_space<hbm>> -> memref<1x80x125xi32, #tpu.memory_space<hbm>>
      %dma_start3A_19 = tpu.memref_squeeze %dma_start3A_18 : memref<1x80x125xi32, #tpu.memory_space<hbm>> -> memref<80x125xi32, #tpu.memory_space<hbm>>
      tpu.enqueue_dma source(%dma_start3A_19 : memref<80x125xi32, #tpu.memory_space<hbm>>) target(%arg7 : memref<80x125xi32, #tpu.memory_space<vmem>>) target_semaphore(%run_scoped3A : memref<!tpu.dma_semaphore, #tpu.memory_space<semaphore_mem>>)
      %dma_wait3A = arith.constant 0 : i32
      %dma_wait3A_20 = arith.constant 0 : i32
      %dma_wait3A_21 = tpu.memref_slice %arg2[%add3A, %dma_wait3A, %dma_wait3A_20] : memref<32x80x125xi32, #tpu.memory_space<hbm>> -> memref<1x80x125xi32, #tpu.memory_space<hbm>>
      %dma_wait3A_22 = tpu.memref_squeeze %dma_wait3A_21 : memref<1x80x125xi32, #tpu.memory_space<hbm>> -> memref<80x125xi32, #tpu.memory_space<hbm>>
      %dma_wait3A_23 = arith.constant 0 : i32
      %dma_wait3A_24 = arith.constant 0 : i32
      %dma_wait3A_25 = tpu.memref_slice %arg2[%add3A, %dma_wait3A_23, %dma_wait3A_24] : memref<32x80x125xi32, #tpu.memory_space<hbm>> -> memref<1x80x125xi32, #tpu.memory_space<hbm>>
      %dma_wait3A_26 = tpu.memref_squeeze %dma_wait3A_25 : memref<1x80x125xi32, #tpu.memory_space<hbm>> -> memref<80x125xi32, #tpu.memory_space<hbm>>
      tpu.wait_dma2 semaphore(%run_scoped3A : memref<!tpu.dma_semaphore, #tpu.memory_space<semaphore_mem>>) src(%dma_wait3A_26 : memref<80x125xi32, #tpu.memory_space<hbm>>) dst(%arg7 : memref<80x125xi32, #tpu.memory_space<vmem>>)
      tpu.yield
    }) : () -> ()
    "tpu.region"() ({
      %run_scoped3A = tpu.sem_alloc : memref<!tpu.dma_semaphore, #tpu.memory_space<semaphore_mem>>
      %dma_start3A = arith.constant 0 : i32
      %dma_start3A_13 = arith.constant 0 : i32
      %dma_start3A_14 = tpu.memref_slice %arg3[%add3A, %dma_start3A, %dma_start3A_13] : memref<32x80x125xi32, #tpu.memory_space<hbm>> -> memref<1x80x125xi32, #tpu.memory_space<hbm>>
      %dma_start3A_15 = tpu.memref_squeeze %dma_start3A_14 : memref<1x80x125xi32, #tpu.memory_space<hbm>> -> memref<80x125xi32, #tpu.memory_space<hbm>>
      %dma_start3A_16 = arith.constant 0 : i32
      %dma_start3A_17 = arith.constant 0 : i32
      %dma_start3A_18 = tpu.memref_slice %arg3[%add3A, %dma_start3A_16, %dma_start3A_17] : memref<32x80x125xi32, #tpu.memory_space<hbm>> -> memref<1x80x125xi32, #tpu.memory_space<hbm>>
      %dma_start3A_19 = tpu.memref_squeeze %dma_start3A_18 : memref<1x80x125xi32, #tpu.memory_space<hbm>> -> memref<80x125xi32, #tpu.memory_space<hbm>>
      tpu.enqueue_dma source(%dma_start3A_19 : memref<80x125xi32, #tpu.memory_space<hbm>>) target(%arg8 : memref<80x125xi32, #tpu.memory_space<vmem>>) target_semaphore(%run_scoped3A : memref<!tpu.dma_semaphore, #tpu.memory_space<semaphore_mem>>)
      %dma_wait3A = arith.constant 0 : i32
      %dma_wait3A_20 = arith.constant 0 : i32
      %dma_wait3A_21 = tpu.memref_slice %arg3[%add3A, %dma_wait3A, %dma_wait3A_20] : memref<32x80x125xi32, #tpu.memory_space<hbm>> -> memref<1x80x125xi32, #tpu.memory_space<hbm>>
      %dma_wait3A_22 = tpu.memref_squeeze %dma_wait3A_21 : memref<1x80x125xi32, #tpu.memory_space<hbm>> -> memref<80x125xi32, #tpu.memory_space<hbm>>
      %dma_wait3A_23 = arith.constant 0 : i32
      %dma_wait3A_24 = arith.constant 0 : i32
      %dma_wait3A_25 = tpu.memref_slice %arg3[%add3A, %dma_wait3A_23, %dma_wait3A_24] : memref<32x80x125xi32, #tpu.memory_space<hbm>> -> memref<1x80x125xi32, #tpu.memory_space<hbm>>
      %dma_wait3A_26 = tpu.memref_squeeze %dma_wait3A_25 : memref<1x80x125xi32, #tpu.memory_space<hbm>> -> memref<80x125xi32, #tpu.memory_space<hbm>>
      tpu.wait_dma2 semaphore(%run_scoped3A : memref<!tpu.dma_semaphore, #tpu.memory_space<semaphore_mem>>) src(%dma_wait3A_26 : memref<80x125xi32, #tpu.memory_space<hbm>>) dst(%arg8 : memref<80x125xi32, #tpu.memory_space<vmem>>)
      tpu.yield
    }) : () -> ()
    %mul3A_1 = arith.constant 640 : i32
    %mul3A_2 = arith.muli %arg1, %mul3A_1 : i32
    "tpu.region"() ({
      %run_scoped3A = tpu.sem_alloc : memref<!tpu.dma_semaphore, #tpu.memory_space<semaphore_mem>>
      %dma_start3A = arith.constant 0 : i32
      %dma_start3A_13 = tpu.memref_slice %arg10[%mul3A_2, %dma_start3A] : memref<10240x128xf32, #tpu.memory_space<vmem_shared>> -> memref<640x128xf32, #tpu.memory_space<vmem_shared>>
      tpu.enqueue_dma source(%arg4 : memref<640x128xf32, #tpu.memory_space<hbm>>) target(%dma_start3A_13 : memref<640x128xf32, #tpu.memory_space<vmem_shared>>) target_semaphore(%run_scoped3A : memref<!tpu.dma_semaphore, #tpu.memory_space<semaphore_mem>>)
      %dma_wait3A = arith.constant 0 : i32
      %dma_wait3A_14 = tpu.memref_slice %arg10[%mul3A_2, %dma_wait3A] : memref<10240x128xf32, #tpu.memory_space<vmem_shared>> -> memref<640x128xf32, #tpu.memory_space<vmem_shared>>
      tpu.wait_dma2 semaphore(%run_scoped3A : memref<!tpu.dma_semaphore, #tpu.memory_space<semaphore_mem>>) src(%arg4 : memref<640x128xf32, #tpu.memory_space<hbm>>) dst(%dma_wait3A_14 : memref<640x128xf32, #tpu.memory_space<vmem_shared>>)
      tpu.yield
    }) : () -> ()
    %barrier3A = arith.constant 0 : index
    tpu.barrier barrier_id(%barrier3A)
    %scan3A = arith.constant 0 : i32
    %scan3A_3 = arith.constant 0 : i32
    %scan3A_4 = arith.constant 80 : i32
    %scan3A_5 = arith.addi %scan3A_3, %scan3A_4 : i32
    %scan3A_6 = arith.constant 1 : i32
    scf.for %scan3A_13 = %scan3A_3 to %scan3A_5 step %scan3A_6  : i32 {
      %dma_start3A = arith.constant 0 : i32
      %dma_start3A_14 = arith.constant 0 : i32
      %dma_start3A_15 = arith.constant 0 : i32
      %dma_start3A_16 = tpu.memref_slice %arg9[%dma_start3A, %dma_start3A_14, %dma_start3A_15] : memref<1x125x128xf32, #tpu.memory_space<vmem>> -> memref<1x125x128xf32, #tpu.memory_space<vmem>>
      %dma_start3A_17 = tpu.memref_squeeze %dma_start3A_16 : memref<1x125x128xf32, #tpu.memory_space<vmem>> -> memref<125x128xf32, #tpu.memory_space<vmem>>
      %dma_start3A_18 = arith.constant 0 : i32
      %dma_start3A_19 = tpu.memref_slice %arg7[%scan3A_13, %dma_start3A_18] : memref<80x125xi32, #tpu.memory_space<vmem>> -> memref<1x125xi32, #tpu.memory_space<vmem>>
      %dma_start3A_20 = tpu.memref_squeeze %dma_start3A_19 : memref<1x125xi32, #tpu.memory_space<vmem>> -> memref<125xi32, #tpu.memory_space<vmem>>
      %dma_start3A_21 = arith.constant 0 : i32
      %dma_start3A_22 = arith.constant 0 : i32
      %dma_start3A_23 = tpu.memref_slice %arg5[%dma_start3A_21, %dma_start3A_22] : memref<10000x128xf32, #tpu.memory_space<hbm>> -> memref<10000x128xf32, #tpu.memory_space<hbm>>
      tpu.enqueue_indirect_dma source(%dma_start3A_23 : memref<10000x128xf32, #tpu.memory_space<hbm>>) target(%dma_start3A_17 : memref<125x128xf32, #tpu.memory_space<vmem>>) offsets(%dma_start3A_20 : memref<125xi32, #tpu.memory_space<vmem>>) semaphore(%arg11 : memref<!tpu.dma_semaphore, #tpu.memory_space<semaphore_mem>>)
      %dma_wait3A = arith.constant 0 : i32
      %dma_wait3A_24 = arith.constant 0 : i32
      %dma_wait3A_25 = arith.constant 0 : i32
      %dma_wait3A_26 = tpu.memref_slice %arg9[%dma_wait3A, %dma_wait3A_24, %dma_wait3A_25] : memref<1x125x128xf32, #tpu.memory_space<vmem>> -> memref<1x125x128xf32, #tpu.memory_space<vmem>>
      %dma_wait3A_27 = tpu.memref_squeeze %dma_wait3A_26 : memref<1x125x128xf32, #tpu.memory_space<vmem>> -> memref<125x128xf32, #tpu.memory_space<vmem>>
      %dma_wait3A_28 = arith.constant 0 : i32
      %dma_wait3A_29 = tpu.memref_slice %arg7[%scan3A_13, %dma_wait3A_28] : memref<80x125xi32, #tpu.memory_space<vmem>> -> memref<1x125xi32, #tpu.memory_space<vmem>>
      %dma_wait3A_30 = tpu.memref_squeeze %dma_wait3A_29 : memref<1x125xi32, #tpu.memory_space<vmem>> -> memref<125xi32, #tpu.memory_space<vmem>>
      %dma_wait3A_31 = arith.constant 0 : i32
      %dma_wait3A_32 = arith.constant 0 : i32
      %dma_wait3A_33 = tpu.memref_slice %arg5[%dma_wait3A_31, %dma_wait3A_32] : memref<10000x128xf32, #tpu.memory_space<hbm>> -> memref<10000x128xf32, #tpu.memory_space<hbm>>
      tpu.wait_indirect_dma semaphore(%arg11 : memref<!tpu.dma_semaphore, #tpu.memory_space<semaphore_mem>>) src(%dma_wait3A_33 : memref<10000x128xf32, #tpu.memory_space<hbm>>) dst(%dma_wait3A_27 : memref<125x128xf32, #tpu.memory_space<vmem>>)
      %run_scoped3A = arith.constant 0 : i32
      "tpu.region"() ({
        %run_scoped3A_34 = tpu.sem_alloc : memref<!tpu.dma_semaphore, #tpu.memory_space<semaphore_mem>>
        %dma_start3A_35 = arith.constant 0 : i32
        %dma_start3A_36 = arith.constant 0 : i32
        %dma_start3A_37 = tpu.memref_slice %arg9[%run_scoped3A, %dma_start3A_35, %dma_start3A_36] : memref<1x125x128xf32, #tpu.memory_space<vmem>> -> memref<1x125x128xf32, #tpu.memory_space<vmem>>
        %dma_start3A_38 = tpu.memref_squeeze %dma_start3A_37 : memref<1x125x128xf32, #tpu.memory_space<vmem>> -> memref<125x128xf32, #tpu.memory_space<vmem>>
        %dma_start3A_39 = arith.constant 0 : i32
        %dma_start3A_40 = tpu.memref_slice %arg8[%scan3A_13, %dma_start3A_39] : memref<80x125xi32, #tpu.memory_space<vmem>> -> memref<1x125xi32, #tpu.memory_space<vmem>>
        %dma_start3A_41 = tpu.memref_squeeze %dma_start3A_40 : memref<1x125xi32, #tpu.memory_space<vmem>> -> memref<125xi32, #tpu.memory_space<vmem>>
        %dma_start3A_42 = arith.constant 0 : i32
        %dma_start3A_43 = arith.constant 0 : i32
        %dma_start3A_44 = tpu.memref_slice %arg10[%dma_start3A_42, %dma_start3A_43] : memref<10240x128xf32, #tpu.memory_space<vmem_shared>> -> memref<10240x128xf32, #tpu.memory_space<vmem_shared>>
        tpu.enqueue_indirect_dma source(%dma_start3A_38 : memref<125x128xf32, #tpu.memory_space<vmem>>) target(%dma_start3A_44 : memref<10240x128xf32, #tpu.memory_space<vmem_shared>>) offsets(%dma_start3A_41 : memref<125xi32, #tpu.memory_space<vmem>>) semaphore(%run_scoped3A_34 : memref<!tpu.dma_semaphore, #tpu.memory_space<semaphore_mem>>) {add = true}
        %dma_wait3A_45 = arith.constant 0 : i32
        %dma_wait3A_46 = arith.constant 0 : i32
        %dma_wait3A_47 = tpu.memref_slice %arg9[%run_scoped3A, %dma_wait3A_45, %dma_wait3A_46] : memref<1x125x128xf32, #tpu.memory_space<vmem>> -> memref<1x125x128xf32, #tpu.memory_space<vmem>>
        %dma_wait3A_48 = tpu.memref_squeeze %dma_wait3A_47 : memref<1x125x128xf32, #tpu.memory_space<vmem>> -> memref<125x128xf32, #tpu.memory_space<vmem>>
        %dma_wait3A_49 = arith.constant 0 : i32
        %dma_wait3A_50 = tpu.memref_slice %arg8[%scan3A_13, %dma_wait3A_49] : memref<80x125xi32, #tpu.memory_space<vmem>> -> memref<1x125xi32, #tpu.memory_space<vmem>>
        %dma_wait3A_51 = tpu.memref_squeeze %dma_wait3A_50 : memref<1x125xi32, #tpu.memory_space<vmem>> -> memref<125xi32, #tpu.memory_space<vmem>>
        %dma_wait3A_52 = arith.constant 0 : i32
        %dma_wait3A_53 = arith.constant 0 : i32
        %dma_wait3A_54 = tpu.memref_slice %arg10[%dma_wait3A_52, %dma_wait3A_53] : memref<10240x128xf32, #tpu.memory_space<vmem_shared>> -> memref<10240x128xf32, #tpu.memory_space<vmem_shared>>
        tpu.wait_indirect_dma semaphore(%run_scoped3A_34 : memref<!tpu.dma_semaphore, #tpu.memory_space<semaphore_mem>>) src(%dma_wait3A_48 : memref<125x128xf32, #tpu.memory_space<vmem>>) dst(%dma_wait3A_54 : memref<10240x128xf32, #tpu.memory_space<vmem_shared>>)
        tpu.yield
      }) : () -> ()
    }
    %scan3A_7 = arith.constant 80 : i32
    %barrier3A_8 = arith.constant 0 : index
    tpu.barrier barrier_id(%barrier3A_8)
    %mul3A_9 = arith.constant 640 : i32
    %mul3A_10 = arith.muli %arg1, %mul3A_9 : i32
    %mul3A_11 = arith.constant 640 : i32
    %mul3A_12 = arith.muli %arg1, %mul3A_11 : i32
    "tpu.region"() ({
      %run_scoped3A = tpu.sem_alloc : memref<!tpu.dma_semaphore, #tpu.memory_space<semaphore_mem>>
      %dma_start3A = arith.constant 0 : i32
      %dma_start3A_13 = tpu.memref_slice %arg6[%arg0, %mul3A_12, %dma_start3A] : memref<2x10240x128xf32, #tpu.memory_space<hbm>> -> memref<1x640x128xf32, #tpu.memory_space<hbm>>
      %dma_start3A_14 = tpu.memref_squeeze %dma_start3A_13 : memref<1x640x128xf32, #tpu.memory_space<hbm>> -> memref<640x128xf32, #tpu.memory_space<hbm>>
      %dma_start3A_15 = arith.constant 0 : i32
      %dma_start3A_16 = tpu.memref_slice %arg10[%mul3A_10, %dma_start3A_15] : memref<10240x128xf32, #tpu.memory_space<vmem_shared>> -> memref<640x128xf32, #tpu.memory_space<vmem_shared>>
      tpu.enqueue_dma source(%dma_start3A_16 : memref<640x128xf32, #tpu.memory_space<vmem_shared>>) target(%dma_start3A_14 : memref<640x128xf32, #tpu.memory_space<hbm>>) target_semaphore(%run_scoped3A : memref<!tpu.dma_semaphore, #tpu.memory_space<semaphore_mem>>)
      %dma_wait3A = arith.constant 0 : i32
      %dma_wait3A_17 = tpu.memref_slice %arg6[%arg0, %mul3A_12, %dma_wait3A] : memref<2x10240x128xf32, #tpu.memory_space<hbm>> -> memref<1x640x128xf32, #tpu.memory_space<hbm>>
      %dma_wait3A_18 = tpu.memref_squeeze %dma_wait3A_17 : memref<1x640x128xf32, #tpu.memory_space<hbm>> -> memref<640x128xf32, #tpu.memory_space<hbm>>
      %dma_wait3A_19 = arith.constant 0 : i32
      %dma_wait3A_20 = tpu.memref_slice %arg10[%mul3A_10, %dma_wait3A_19] : memref<10240x128xf32, #tpu.memory_space<vmem_shared>> -> memref<640x128xf32, #tpu.memory_space<vmem_shared>>
      tpu.wait_dma2 semaphore(%run_scoped3A : memref<!tpu.dma_semaphore, #tpu.memory_space<semaphore_mem>>) src(%dma_wait3A_20 : memref<640x128xf32, #tpu.memory_space<vmem_shared>>) dst(%dma_wait3A_18 : memref<640x128xf32, #tpu.memory_space<hbm>>)
      tpu.yield
    }) : () -> ()
    return
  }
}

#map = affine_map<(d0, d1) -> (0, 0, 0)>
#map1 = affine_map<(d0, d1) -> (0, 0)>
module attributes {stable_mosaic.version = 14 : i64} {
  func.func @_spmm_body(%arg0: i32, %arg1: i32, %arg2: memref<32x80x125xi32, #tpu.memory_space<hbm>>, %arg3: memref<32x80x125xi32, #tpu.memory_space<hbm>>, %arg4: memref<640x128xf32, #tpu.memory_space<hbm>>, %arg5: memref<10000x128xf32, #tpu.memory_space<hbm>>, %arg6: memref<2x10240x128xf32, #tpu.memory_space<hbm>>, %arg7: memref<80x125xi32, #tpu.memory_space<vmem>>, %arg8: memref<80x125xi32, #tpu.memory_space<vmem>>, %arg9: memref<1x125x128xf32, #tpu.memory_space<vmem>>, %arg10: memref<10240x128xf32, #tpu.memory_space<vmem_shared>>, %arg11: memref<!tpu.dma_semaphore, #tpu.memory_space<semaphore_mem>>) attributes {dimension_semantics = [#tpu.dimension_semantics<core_parallel>, #tpu.dimension_semantics<subcore_parallel>], iteration_bounds = array<i64: 2, 16>, scalar_prefetch = 0 : i64, scratch_operands = 5 : i64, tpu.core_type = #tpu.core_type<sc_vector_subcore>, window_params = [{transform_indices = #map}, {transform_indices = #map}, {transform_indices = #map1}, {transform_indices = #map1}, {transform_indices = #map}]} {
    %mul3A = arith.constant 16 : i32
    %mul3A_0 = arith.muli %arg0, %mul3A : i32
    %add3A = arith.addi %mul3A_0, %arg1 : i32
    "tpu.region"() ({
      %run_scoped3A = tpu.sem_alloc : memref<!tpu.dma_semaphore, #tpu.memory_space<semaphore_mem>>
      %dma_start3A = arith.constant 0 : i32
      %dma_start3A_13 = arith.constant 0 : i32
      %dma_start3A_14 = tpu.memref_slice %arg2[%add3A, %dma_start3A, %dma_start3A_13] : memref<32x80x125xi32, #tpu.memory_space<hbm>> -> memref<1x80x125xi32, #tpu.memory_space<hbm>>
      %dma_start3A_15 = tpu.memref_squeeze %dma_start3A_14 : memref<1x80x125xi32, #tpu.memory_space<hbm>> -> memref<80x125xi32, #tpu.memory_space<hbm>>
      %dma_start3A_16 = arith.constant 0 : i32
      %dma_start3A_17 = arith.constant 0 : i32
      %dma_start3A_18 = tpu.memref_slice %arg2[%add3A, %dma_start3A_16, %dma_start3A_17] : memref<32x80x125xi32, #tpu.memory_space<hbm>> -> memref<1x80x125xi32, #tpu.memory_space<hbm>>
      %dma_start3A_19 = tpu.memref_squeeze %dma_start3A_18 : memref<1x80x125xi32, #tpu.memory_space<hbm>> -> memref<80x125xi32, #tpu.memory_space<hbm>>
      tpu.enqueue_dma source(%dma_start3A_19 : memref<80x125xi32, #tpu.memory_space<hbm>>) target(%arg7 : memref<80x125xi32, #tpu.memory_space<vmem>>) target_semaphore(%run_scoped3A : memref<!tpu.dma_semaphore, #tpu.memory_space<semaphore_mem>>)
      %dma_wait3A = arith.constant 0 : i32
      %dma_wait3A_20 = arith.constant 0 : i32
      %dma_wait3A_21 = tpu.memref_slice %arg2[%add3A, %dma_wait3A, %dma_wait3A_20] : memref<32x80x125xi32, #tpu.memory_space<hbm>> -> memref<1x80x125xi32, #tpu.memory_space<hbm>>
      %dma_wait3A_22 = tpu.memref_squeeze %dma_wait3A_21 : memref<1x80x125xi32, #tpu.memory_space<hbm>> -> memref<80x125xi32, #tpu.memory_space<hbm>>
      %dma_wait3A_23 = arith.constant 0 : i32
      %dma_wait3A_24 = arith.constant 0 : i32
      %dma_wait3A_25 = tpu.memref_slice %arg2[%add3A, %dma_wait3A_23, %dma_wait3A_24] : memref<32x80x125xi32, #tpu.memory_space<hbm>> -> memref<1x80x125xi32, #tpu.memory_space<hbm>>
      %dma_wait3A_26 = tpu.memref_squeeze %dma_wait3A_25 : memref<1x80x125xi32, #tpu.memory_space<hbm>> -> memref<80x125xi32, #tpu.memory_space<hbm>>
      tpu.wait_dma2 semaphore(%run_scoped3A : memref<!tpu.dma_semaphore, #tpu.memory_space<semaphore_mem>>) src(%dma_wait3A_26 : memref<80x125xi32, #tpu.memory_space<hbm>>) dst(%arg7 : memref<80x125xi32, #tpu.memory_space<vmem>>)
      tpu.yield
    }) : () -> ()
    "tpu.region"() ({
      %run_scoped3A = tpu.sem_alloc : memref<!tpu.dma_semaphore, #tpu.memory_space<semaphore_mem>>
      %dma_start3A = arith.constant 0 : i32
      %dma_start3A_13 = arith.constant 0 : i32
      %dma_start3A_14 = tpu.memref_slice %arg3[%add3A, %dma_start3A, %dma_start3A_13] : memref<32x80x125xi32, #tpu.memory_space<hbm>> -> memref<1x80x125xi32, #tpu.memory_space<hbm>>
      %dma_start3A_15 = tpu.memref_squeeze %dma_start3A_14 : memref<1x80x125xi32, #tpu.memory_space<hbm>> -> memref<80x125xi32, #tpu.memory_space<hbm>>
      %dma_start3A_16 = arith.constant 0 : i32
      %dma_start3A_17 = arith.constant 0 : i32
      %dma_start3A_18 = tpu.memref_slice %arg3[%add3A, %dma_start3A_16, %dma_start3A_17] : memref<32x80x125xi32, #tpu.memory_space<hbm>> -> memref<1x80x125xi32, #tpu.memory_space<hbm>>
      %dma_start3A_19 = tpu.memref_squeeze %dma_start3A_18 : memref<1x80x125xi32, #tpu.memory_space<hbm>> -> memref<80x125xi32, #tpu.memory_space<hbm>>
      tpu.enqueue_dma source(%dma_start3A_19 : memref<80x125xi32, #tpu.memory_space<hbm>>) target(%arg8 : memref<80x125xi32, #tpu.memory_space<vmem>>) target_semaphore(%run_scoped3A : memref<!tpu.dma_semaphore, #tpu.memory_space<semaphore_mem>>)
      %dma_wait3A = arith.constant 0 : i32
      %dma_wait3A_20 = arith.constant 0 : i32
      %dma_wait3A_21 = tpu.memref_slice %arg3[%add3A, %dma_wait3A, %dma_wait3A_20] : memref<32x80x125xi32, #tpu.memory_space<hbm>> -> memref<1x80x125xi32, #tpu.memory_space<hbm>>
      %dma_wait3A_22 = tpu.memref_squeeze %dma_wait3A_21 : memref<1x80x125xi32, #tpu.memory_space<hbm>> -> memref<80x125xi32, #tpu.memory_space<hbm>>
      %dma_wait3A_23 = arith.constant 0 : i32
      %dma_wait3A_24 = arith.constant 0 : i32
      %dma_wait3A_25 = tpu.memref_slice %arg3[%add3A, %dma_wait3A_23, %dma_wait3A_24] : memref<32x80x125xi32, #tpu.memory_space<hbm>> -> memref<1x80x125xi32, #tpu.memory_space<hbm>>
      %dma_wait3A_26 = tpu.memref_squeeze %dma_wait3A_25 : memref<1x80x125xi32, #tpu.memory_space<hbm>> -> memref<80x125xi32, #tpu.memory_space<hbm>>
      tpu.wait_dma2 semaphore(%run_scoped3A : memref<!tpu.dma_semaphore, #tpu.memory_space<semaphore_mem>>) src(%dma_wait3A_26 : memref<80x125xi32, #tpu.memory_space<hbm>>) dst(%arg8 : memref<80x125xi32, #tpu.memory_space<vmem>>)
      tpu.yield
    }) : () -> ()
    %mul3A_1 = arith.constant 640 : i32
    %mul3A_2 = arith.muli %arg1, %mul3A_1 : i32
    "tpu.region"() ({
      %run_scoped3A = tpu.sem_alloc : memref<!tpu.dma_semaphore, #tpu.memory_space<semaphore_mem>>
      %dma_start3A = arith.constant 0 : i32
      %dma_start3A_13 = tpu.memref_slice %arg10[%mul3A_2, %dma_start3A] : memref<10240x128xf32, #tpu.memory_space<vmem_shared>> -> memref<640x128xf32, #tpu.memory_space<vmem_shared>>
      tpu.enqueue_dma source(%arg4 : memref<640x128xf32, #tpu.memory_space<hbm>>) target(%dma_start3A_13 : memref<640x128xf32, #tpu.memory_space<vmem_shared>>) target_semaphore(%run_scoped3A : memref<!tpu.dma_semaphore, #tpu.memory_space<semaphore_mem>>)
      %dma_wait3A = arith.constant 0 : i32
      %dma_wait3A_14 = tpu.memref_slice %arg10[%mul3A_2, %dma_wait3A] : memref<10240x128xf32, #tpu.memory_space<vmem_shared>> -> memref<640x128xf32, #tpu.memory_space<vmem_shared>>
      tpu.wait_dma2 semaphore(%run_scoped3A : memref<!tpu.dma_semaphore, #tpu.memory_space<semaphore_mem>>) src(%arg4 : memref<640x128xf32, #tpu.memory_space<hbm>>) dst(%dma_wait3A_14 : memref<640x128xf32, #tpu.memory_space<vmem_shared>>)
      tpu.yield
    }) : () -> ()
    %barrier3A = arith.constant 0 : index
    tpu.barrier barrier_id(%barrier3A)
    %scan3A = arith.constant 0 : i32
    %scan3A_3 = arith.constant 0 : i32
    %scan3A_4 = arith.constant 80 : i32
    %scan3A_5 = arith.addi %scan3A_3, %scan3A_4 : i32
    %scan3A_6 = arith.constant 1 : i32
    scf.for %scan3A_13 = %scan3A_3 to %scan3A_5 step %scan3A_6  : i32 {
      %dma_start3A = arith.constant 0 : i32
      %dma_start3A_14 = arith.constant 0 : i32
      %dma_start3A_15 = arith.constant 0 : i32
      %dma_start3A_16 = tpu.memref_slice %arg9[%dma_start3A, %dma_start3A_14, %dma_start3A_15] : memref<1x125x128xf32, #tpu.memory_space<vmem>> -> memref<1x125x128xf32, #tpu.memory_space<vmem>>
      %dma_start3A_17 = tpu.memref_squeeze %dma_start3A_16 : memref<1x125x128xf32, #tpu.memory_space<vmem>> -> memref<125x128xf32, #tpu.memory_space<vmem>>
      %dma_start3A_18 = arith.constant 0 : i32
      %dma_start3A_19 = tpu.memref_slice %arg7[%scan3A_13, %dma_start3A_18] : memref<80x125xi32, #tpu.memory_space<vmem>> -> memref<1x125xi32, #tpu.memory_space<vmem>>
      %dma_start3A_20 = tpu.memref_squeeze %dma_start3A_19 : memref<1x125xi32, #tpu.memory_space<vmem>> -> memref<125xi32, #tpu.memory_space<vmem>>
      %dma_start3A_21 = arith.constant 0 : i32
      %dma_start3A_22 = arith.constant 0 : i32
      %dma_start3A_23 = tpu.memref_slice %arg5[%dma_start3A_21, %dma_start3A_22] : memref<10000x128xf32, #tpu.memory_space<hbm>> -> memref<10000x128xf32, #tpu.memory_space<hbm>>
      tpu.enqueue_indirect_dma source(%dma_start3A_23 : memref<10000x128xf32, #tpu.memory_space<hbm>>) target(%dma_start3A_17 : memref<125x128xf32, #tpu.memory_space<vmem>>) offsets(%dma_start3A_20 : memref<125xi32, #tpu.memory_space<vmem>>) semaphore(%arg11 : memref<!tpu.dma_semaphore, #tpu.memory_space<semaphore_mem>>)
      %dma_wait3A = arith.constant 0 : i32
      %dma_wait3A_24 = arith.constant 0 : i32
      %dma_wait3A_25 = arith.constant 0 : i32
      %dma_wait3A_26 = tpu.memref_slice %arg9[%dma_wait3A, %dma_wait3A_24, %dma_wait3A_25] : memref<1x125x128xf32, #tpu.memory_space<vmem>> -> memref<1x125x128xf32, #tpu.memory_space<vmem>>
      %dma_wait3A_27 = tpu.memref_squeeze %dma_wait3A_26 : memref<1x125x128xf32, #tpu.memory_space<vmem>> -> memref<125x128xf32, #tpu.memory_space<vmem>>
      %dma_wait3A_28 = arith.constant 0 : i32
      %dma_wait3A_29 = tpu.memref_slice %arg7[%scan3A_13, %dma_wait3A_28] : memref<80x125xi32, #tpu.memory_space<vmem>> -> memref<1x125xi32, #tpu.memory_space<vmem>>
      %dma_wait3A_30 = tpu.memref_squeeze %dma_wait3A_29 : memref<1x125xi32, #tpu.memory_space<vmem>> -> memref<125xi32, #tpu.memory_space<vmem>>
      %dma_wait3A_31 = arith.constant 0 : i32
      %dma_wait3A_32 = arith.constant 0 : i32
      %dma_wait3A_33 = tpu.memref_slice %arg5[%dma_wait3A_31, %dma_wait3A_32] : memref<10000x128xf32, #tpu.memory_space<hbm>> -> memref<10000x128xf32, #tpu.memory_space<hbm>>
      tpu.wait_indirect_dma semaphore(%arg11 : memref<!tpu.dma_semaphore, #tpu.memory_space<semaphore_mem>>) src(%dma_wait3A_33 : memref<10000x128xf32, #tpu.memory_space<hbm>>) dst(%dma_wait3A_27 : memref<125x128xf32, #tpu.memory_space<vmem>>)
      %run_scoped3A = arith.constant 0 : i32
      "tpu.region"() ({
        %run_scoped3A_34 = tpu.sem_alloc : memref<!tpu.dma_semaphore, #tpu.memory_space<semaphore_mem>>
        %dma_start3A_35 = arith.constant 0 : i32
        %dma_start3A_36 = arith.constant 0 : i32
        %dma_start3A_37 = tpu.memref_slice %arg9[%run_scoped3A, %dma_start3A_35, %dma_start3A_36] : memref<1x125x128xf32, #tpu.memory_space<vmem>> -> memref<1x125x128xf32, #tpu.memory_space<vmem>>
        %dma_start3A_38 = tpu.memref_squeeze %dma_start3A_37 : memref<1x125x128xf32, #tpu.memory_space<vmem>> -> memref<125x128xf32, #tpu.memory_space<vmem>>
        %dma_start3A_39 = arith.constant 0 : i32
        %dma_start3A_40 = tpu.memref_slice %arg8[%scan3A_13, %dma_start3A_39] : memref<80x125xi32, #tpu.memory_space<vmem>> -> memref<1x125xi32, #tpu.memory_space<vmem>>
        %dma_start3A_41 = tpu.memref_squeeze %dma_start3A_40 : memref<1x125xi32, #tpu.memory_space<vmem>> -> memref<125xi32, #tpu.memory_space<vmem>>
        %dma_start3A_42 = arith.constant 0 : i32
        %dma_start3A_43 = arith.constant 0 : i32
        %dma_start3A_44 = tpu.memref_slice %arg10[%dma_start3A_42, %dma_start3A_43] : memref<10240x128xf32, #tpu.memory_space<vmem_shared>> -> memref<10240x128xf32, #tpu.memory_space<vmem_shared>>
        tpu.enqueue_indirect_dma source(%dma_start3A_38 : memref<125x128xf32, #tpu.memory_space<vmem>>) target(%dma_start3A_44 : memref<10240x128xf32, #tpu.memory_space<vmem_shared>>) offsets(%dma_start3A_41 : memref<125xi32, #tpu.memory_space<vmem>>) semaphore(%run_scoped3A_34 : memref<!tpu.dma_semaphore, #tpu.memory_space<semaphore_mem>>) {add = true}
        %dma_wait3A_45 = arith.constant 0 : i32
        %dma_wait3A_46 = arith.constant 0 : i32
        %dma_wait3A_47 = tpu.memref_slice %arg9[%run_scoped3A, %dma_wait3A_45, %dma_wait3A_46] : memref<1x125x128xf32, #tpu.memory_space<vmem>> -> memref<1x125x128xf32, #tpu.memory_space<vmem>>
        %dma_wait3A_48 = tpu.memref_squeeze %dma_wait3A_47 : memref<1x125x128xf32, #tpu.memory_space<vmem>> -> memref<125x128xf32, #tpu.memory_space<vmem>>
        %dma_wait3A_49 = arith.constant 0 : i32
        %dma_wait3A_50 = tpu.memref_slice %arg8[%scan3A_13, %dma_wait3A_49] : memref<80x125xi32, #tpu.memory_space<vmem>> -> memref<1x125xi32, #tpu.memory_space<vmem>>
        %dma_wait3A_51 = tpu.memref_squeeze %dma_wait3A_50 : memref<1x125xi32, #tpu.memory_space<vmem>> -> memref<125xi32, #tpu.memory_space<vmem>>
        %dma_wait3A_52 = arith.constant 0 : i32
        %dma_wait3A_53 = arith.constant 0 : i32
        %dma_wait3A_54 = tpu.memref_slice %arg10[%dma_wait3A_52, %dma_wait3A_53] : memref<10240x128xf32, #tpu.memory_space<vmem_shared>> -> memref<10240x128xf32, #tpu.memory_space<vmem_shared>>
        tpu.wait_indirect_dma semaphore(%run_scoped3A_34 : memref<!tpu.dma_semaphore, #tpu.memory_space<semaphore_mem>>) src(%dma_wait3A_48 : memref<125x128xf32, #tpu.memory_space<vmem>>) dst(%dma_wait3A_54 : memref<10240x128xf32, #tpu.memory_space<vmem_shared>>)
        tpu.yield
      }) : () -> ()
    }
    %scan3A_7 = arith.constant 80 : i32
    %barrier3A_8 = arith.constant 0 : index
    tpu.barrier barrier_id(%barrier3A_8)
    %mul3A_9 = arith.constant 640 : i32
    %mul3A_10 = arith.muli %arg1, %mul3A_9 : i32
    %mul3A_11 = arith.constant 640 : i32
    %mul3A_12 = arith.muli %arg1, %mul3A_11 : i32
    "tpu.region"() ({
      %run_scoped3A = tpu.sem_alloc : memref<!tpu.dma_semaphore, #tpu.memory_space<semaphore_mem>>
      %dma_start3A = arith.constant 0 : i32
      %dma_start3A_13 = tpu.memref_slice %arg6[%arg0, %mul3A_12, %dma_start3A] : memref<2x10240x128xf32, #tpu.memory_space<hbm>> -> memref<1x640x128xf32, #tpu.memory_space<hbm>>
      %dma_start3A_14 = tpu.memref_squeeze %dma_start3A_13 : memref<1x640x128xf32, #tpu.memory_space<hbm>> -> memref<640x128xf32, #tpu.memory_space<hbm>>
      %dma_start3A_15 = arith.constant 0 : i32
      %dma_start3A_16 = tpu.memref_slice %arg10[%mul3A_10, %dma_start3A_15] : memref<10240x128xf32, #tpu.memory_space<vmem_shared>> -> memref<640x128xf32, #tpu.memory_space<vmem_shared>>
      tpu.enqueue_dma source(%dma_start3A_16 : memref<640x128xf32, #tpu.memory_space<vmem_shared>>) target(%dma_start3A_14 : memref<640x128xf32, #tpu.memory_space<hbm>>) target_semaphore(%run_scoped3A : memref<!tpu.dma_semaphore, #tpu.memory_space<semaphore_mem>>)
      %dma_wait3A = arith.constant 0 : i32
      %dma_wait3A_17 = tpu.memref_slice %arg6[%arg0, %mul3A_12, %dma_wait3A] : memref<2x10240x128xf32, #tpu.memory_space<hbm>> -> memref<1x640x128xf32, #tpu.memory_space<hbm>>
      %dma_wait3A_18 = tpu.memref_squeeze %dma_wait3A_17 : memref<1x640x128xf32, #tpu.memory_space<hbm>> -> memref<640x128xf32, #tpu.memory_space<hbm>>
      %dma_wait3A_19 = arith.constant 0 : i32
      %dma_wait3A_20 = tpu.memref_slice %arg10[%mul3A_10, %dma_wait3A_19] : memref<10240x128xf32, #tpu.memory_space<vmem_shared>> -> memref<640x128xf32, #tpu.memory_space<vmem_shared>>
      tpu.wait_dma2 semaphore(%run_scoped3A : memref<!tpu.dma_semaphore, #tpu.memory_space<semaphore_mem>>) src(%dma_wait3A_20 : memref<640x128xf32, #tpu.memory_space<vmem_shared>>) dst(%dma_wait3A_18 : memref<640x128xf32, #tpu.memory_space<hbm>>)
      tpu.yield
    }) : () -> ()
    return
  }
}

module attributes {stable_mosaic.version = 14 : i64} {
  func.func @_tc0_body(%arg0: memref<10000x128xf32, #tpu.memory_space<vmem>>, %arg1: memref<128x128xf32, #tpu.memory_space<vmem>>, %arg2: memref<10000x128xf32, #tpu.memory_space<vmem>>) attributes {dimension_semantics = [], scalar_prefetch = 0 : i64, scratch_operands = 0 : i64, tpu.core_type = #tpu.core_type<tc>} {
    %get3A = arith.constant 0 : index
    %get3A_0 = arith.constant 0 : index
    %get3A_1 = vector.load %arg0[%get3A, %get3A_0] : memref<10000x128xf32, #tpu.memory_space<vmem>>, vector<10000x128xf32>
    %get3A_2 = arith.constant 0 : index
    %get3A_3 = arith.constant 0 : index
    %get3A_4 = vector.load %arg1[%get3A_2, %get3A_3] : memref<128x128xf32, #tpu.memory_space<vmem>>, vector<128x128xf32>
    %dot_general3A = arith.constant dense<0.000000e+00> : vector<10000x128xf32>
    %dot_general3A_5 = tpu.matmul %get3A_1, %get3A_4, %dot_general3A {dimension_numbers = #tpu.dot_dimension_numbers<[1], [0], [0], [1], [0, 0, 1, 1], [], []>, transpose_lhs_hint = false} : vector<10000x128xf32>, vector<128x128xf32>, vector<10000x128xf32> -> vector<10000x128xf32>
    %swap3A = arith.constant 0 : index
    %swap3A_6 = arith.constant 0 : index
    %swap3A_7 = vector.load %arg2[%swap3A, %swap3A_6] : memref<10000x128xf32, #tpu.memory_space<vmem>>, vector<10000x128xf32>
    tpu.vector_store %arg2[%swap3A, %swap3A_6], %dot_general3A_5 {strides = array<i32>} : memref<10000x128xf32, #tpu.memory_space<vmem>>, vector<10000x128xf32>,
    return
  }
}

module attributes {stable_mosaic.version = 14 : i64} {
  func.func @_tc1_body(%arg0: memref<2x10240x1xf32, #tpu.memory_space<vmem>>, %arg1: memref<10000x128xf32, #tpu.memory_space<vmem>>, %arg2: memref<10000x1xf32, #tpu.memory_space<vmem>>, %arg3: memref<10000x128xf32, #tpu.memory_space<vmem>>) attributes {dimension_semantics = [], scalar_prefetch = 0 : i64, scratch_operands = 0 : i64, tpu.core_type = #tpu.core_type<tc>} {
    %get3A = arith.constant 0 : index
    %get3A_0 = arith.constant 0 : index
    %get3A_1 = arith.constant 0 : index
    %get3A_2 = vector.load %arg0[%get3A, %get3A_0, %get3A_1] : memref<2x10240x1xf32, #tpu.memory_space<vmem>>, vector<1x10240x1xf32>
    %get3A_3 = vector.shape_cast %get3A_2 : vector<1x10240x1xf32> to vector<10240x1xf32>
    %add3A = arith.constant 1.000000e+00 : f32
    %add3A_4 = vector.broadcast %add3A : f32 to vector<10240x1xf32>
    %add3A_5 = arith.addf %add3A_4, %get3A_3 : vector<10240x1xf32>
    %get3A_6 = arith.constant 1 : index
    %get3A_7 = arith.constant 0 : index
    %get3A_8 = arith.constant 0 : index
    %get3A_9 = vector.load %arg0[%get3A_6, %get3A_7, %get3A_8] : memref<2x10240x1xf32, #tpu.memory_space<vmem>>, vector<1x10240x1xf32>
    %get3A_10 = vector.shape_cast %get3A_9 : vector<1x10240x1xf32> to vector<10240x1xf32>
    %add3A_11 = arith.addf %add3A_5, %get3A_10 : vector<10240x1xf32>
    %rsqrt3A = math.rsqrt %add3A_11 : vector<10240x1xf32>
    %slice3A = vector.extract_strided_slice %rsqrt3A {offsets = [0, 0], sizes = [10000, 1], strides = [1, 1]} : vector<10240x1xf32> to vector<10000x1xf32>
    %swap3A = arith.constant 0 : index
    %swap3A_12 = arith.constant 0 : index
    %swap3A_13 = vector.load %arg2[%swap3A, %swap3A_12] : memref<10000x1xf32, #tpu.memory_space<vmem>>, vector<10000x1xf32>
    tpu.vector_store %arg2[%swap3A, %swap3A_12], %slice3A {strides = array<i32>} : memref<10000x1xf32, #tpu.memory_space<vmem>>, vector<10000x1xf32>,
    %get3A_14 = arith.constant 0 : index
    %get3A_15 = arith.constant 0 : index
    %get3A_16 = vector.load %arg1[%get3A_14, %get3A_15] : memref<10000x128xf32, #tpu.memory_space<vmem>>, vector<10000x128xf32>
    %mul3A = vector.broadcast %slice3A : vector<10000x1xf32> to vector<10000x128xf32>
    %mul3A_17 = arith.mulf %get3A_16, %mul3A : vector<10000x128xf32>
    %swap3A_18 = arith.constant 0 : index
    %swap3A_19 = arith.constant 0 : index
    %swap3A_20 = vector.load %arg3[%swap3A_18, %swap3A_19] : memref<10000x128xf32, #tpu.memory_space<vmem>>, vector<10000x128xf32>
    tpu.vector_store %arg3[%swap3A_18, %swap3A_19], %mul3A_17 {strides = array<i32>} : memref<10000x128xf32, #tpu.memory_space<vmem>>, vector<10000x128xf32>,
    return
  }
}

module attributes {stable_mosaic.version = 14 : i64} {
  func.func @_tc2_body(%arg0: memref<2x10240x128xf32, #tpu.memory_space<vmem>>, %arg1: memref<10000x128xf32, #tpu.memory_space<vmem>>, %arg2: memref<10000x1xf32, #tpu.memory_space<vmem>>, %arg3: memref<1x128xf32, #tpu.memory_space<vmem>>, %arg4: memref<1x128xf32, #tpu.memory_space<vmem>>, %arg5: memref<1x128xf32, #tpu.memory_space<vmem>>, %arg6: memref<128x128xf32, #tpu.memory_space<vmem>>, %arg7: memref<10000x128xf32, #tpu.memory_space<vmem>>) attributes {dimension_semantics = [], scalar_prefetch = 0 : i64, scratch_operands = 0 : i64, tpu.core_type = #tpu.core_type<tc>} {
    %get3A = arith.constant 0 : index
    %get3A_0 = arith.constant 0 : index
    %get3A_1 = vector.load %arg2[%get3A, %get3A_0] : memref<10000x1xf32, #tpu.memory_space<vmem>>, vector<10000x1xf32>
    %get3A_2 = arith.constant 0 : index
    %get3A_3 = arith.constant 0 : index
    %get3A_4 = arith.constant 0 : index
    %get3A_5 = vector.load %arg0[%get3A_2, %get3A_3, %get3A_4] : memref<2x10240x128xf32, #tpu.memory_space<vmem>>, vector<1x10000x128xf32>
    %get3A_6 = vector.shape_cast %get3A_5 : vector<1x10000x128xf32> to vector<10000x128xf32>
    %get3A_7 = arith.constant 1 : index
    %get3A_8 = arith.constant 0 : index
    %get3A_9 = arith.constant 0 : index
    %get3A_10 = vector.load %arg0[%get3A_7, %get3A_8, %get3A_9] : memref<2x10240x128xf32, #tpu.memory_space<vmem>>, vector<1x10000x128xf32>
    %get3A_11 = vector.shape_cast %get3A_10 : vector<1x10000x128xf32> to vector<10000x128xf32>
    %add3A = arith.addf %get3A_6, %get3A_11 : vector<10000x128xf32>
    %get3A_12 = arith.constant 0 : index
    %get3A_13 = arith.constant 0 : index
    %get3A_14 = vector.load %arg1[%get3A_12, %get3A_13] : memref<10000x128xf32, #tpu.memory_space<vmem>>, vector<10000x128xf32>
    %add3A_15 = arith.addf %add3A, %get3A_14 : vector<10000x128xf32>
    %mul3A = vector.broadcast %get3A_1 : vector<10000x1xf32> to vector<10000x128xf32>
    %mul3A_16 = arith.mulf %mul3A, %add3A_15 : vector<10000x128xf32>
    %get3A_17 = arith.constant 0 : index
    %get3A_18 = arith.constant 0 : index
    %get3A_19 = vector.load %arg3[%get3A_17, %get3A_18] : memref<1x128xf32, #tpu.memory_space<vmem>>, vector<1x128xf32>
    %add3A_20 = vector.broadcast %get3A_19 : vector<1x128xf32> to vector<10000x128xf32>
    %add3A_21 = arith.addf %mul3A_16, %add3A_20 : vector<10000x128xf32>
    %reduce_sum3A = arith.constant dense<0.000000e+00> : vector<128xf32>
    %reduce_sum3A_22 = vector.multi_reduction <add>, %add3A_21, %reduce_sum3A [0] : vector<10000x128xf32> to vector<128xf32>
    %broadcast_in_dim3A = vector.shape_cast %reduce_sum3A_22 : vector<128xf32> to vector<1x128xf32>
    %div3A = arith.constant 1.000000e+04 : f32
    %div3A_23 = vector.broadcast %div3A : f32 to vector<1x128xf32>
    %div3A_24 = arith.divf %broadcast_in_dim3A, %div3A_23 : vector<1x128xf32>
    %mul3A_25 = arith.mulf %add3A_21, %add3A_21 : vector<10000x128xf32>
    %reduce_sum3A_26 = arith.constant dense<0.000000e+00> : vector<128xf32>
    %reduce_sum3A_27 = vector.multi_reduction <add>, %mul3A_25, %reduce_sum3A_26 [0] : vector<10000x128xf32> to vector<128xf32>
    %broadcast_in_dim3A_28 = vector.shape_cast %reduce_sum3A_27 : vector<128xf32> to vector<1x128xf32>
    %div3A_29 = arith.constant 1.000000e+04 : f32
    %div3A_30 = vector.broadcast %div3A_29 : f32 to vector<1x128xf32>
    %div3A_31 = arith.divf %broadcast_in_dim3A_28, %div3A_30 : vector<1x128xf32>
    %mul3A_32 = arith.mulf %div3A_24, %div3A_24 : vector<1x128xf32>
    %sub3A = arith.subf %div3A_31, %mul3A_32 : vector<1x128xf32>
    %sub3A_33 = vector.broadcast %div3A_24 : vector<1x128xf32> to vector<10000x128xf32>
    %sub3A_34 = arith.subf %add3A_21, %sub3A_33 : vector<10000x128xf32>
    %add3A_35 = arith.constant 9.99999974E-6 : f32
    %add3A_36 = vector.broadcast %add3A_35 : f32 to vector<1x128xf32>
    %add3A_37 = arith.addf %sub3A, %add3A_36 : vector<1x128xf32>
    %rsqrt3A = math.rsqrt %add3A_37 : vector<1x128xf32>
    %mul3A_38 = vector.broadcast %rsqrt3A : vector<1x128xf32> to vector<10000x128xf32>
    %mul3A_39 = arith.mulf %sub3A_34, %mul3A_38 : vector<10000x128xf32>
    %get3A_40 = arith.constant 0 : index
    %get3A_41 = arith.constant 0 : index
    %get3A_42 = vector.load %arg4[%get3A_40, %get3A_41] : memref<1x128xf32, #tpu.memory_space<vmem>>, vector<1x128xf32>
    %mul3A_43 = vector.broadcast %get3A_42 : vector<1x128xf32> to vector<10000x128xf32>
    %mul3A_44 = arith.mulf %mul3A_39, %mul3A_43 : vector<10000x128xf32>
    %get3A_45 = arith.constant 0 : index
    %get3A_46 = arith.constant 0 : index
    %get3A_47 = vector.load %arg5[%get3A_45, %get3A_46] : memref<1x128xf32, #tpu.memory_space<vmem>>, vector<1x128xf32>
    %add3A_48 = vector.broadcast %get3A_47 : vector<1x128xf32> to vector<10000x128xf32>
    %add3A_49 = arith.addf %mul3A_44, %add3A_48 : vector<10000x128xf32>
    %max3A = arith.constant 0.000000e+00 : f32
    %max3A_50 = vector.broadcast %max3A : f32 to vector<10000x128xf32>
    %max3A_51 = arith.maximumf %add3A_49, %max3A_50 : vector<10000x128xf32>
    %get3A_52 = arith.constant 0 : index
    %get3A_53 = arith.constant 0 : index
    %get3A_54 = vector.load %arg6[%get3A_52, %get3A_53] : memref<128x128xf32, #tpu.memory_space<vmem>>, vector<128x128xf32>
    %dot_general3A = arith.constant dense<0.000000e+00> : vector<10000x128xf32>
    %dot_general3A_55 = tpu.matmul %max3A_51, %get3A_54, %dot_general3A {dimension_numbers = #tpu.dot_dimension_numbers<[1], [0], [0], [1], [0, 0, 1, 1], [], []>, transpose_lhs_hint = false} : vector<10000x128xf32>, vector<128x128xf32>, vector<10000x128xf32> -> vector<10000x128xf32>
    %mul3A_56 = vector.broadcast %get3A_1 : vector<10000x1xf32> to vector<10000x128xf32>
    %mul3A_57 = arith.mulf %dot_general3A_55, %mul3A_56 : vector<10000x128xf32>
    %swap3A = arith.constant 0 : index
    %swap3A_58 = arith.constant 0 : index
    %swap3A_59 = vector.load %arg7[%swap3A, %swap3A_58] : memref<10000x128xf32, #tpu.memory_space<vmem>>, vector<10000x128xf32>
    tpu.vector_store %arg7[%swap3A, %swap3A_58], %mul3A_57 {strides = array<i32>} : memref<10000x128xf32, #tpu.memory_space<vmem>>, vector<10000x128xf32>,
    return
  }
}

module attributes {stable_mosaic.version = 14 : i64} {
  func.func @_tc3_body(%arg0: memref<2x10240x128xf32, #tpu.memory_space<vmem>>, %arg1: memref<10000x128xf32, #tpu.memory_space<vmem>>, %arg2: memref<10000x1xf32, #tpu.memory_space<vmem>>, %arg3: memref<1x128xf32, #tpu.memory_space<vmem>>, %arg4: memref<10000x128xf32, #tpu.memory_space<vmem>>) attributes {dimension_semantics = [], scalar_prefetch = 0 : i64, scratch_operands = 0 : i64, tpu.core_type = #tpu.core_type<tc>} {
    %get3A = arith.constant 0 : index
    %get3A_0 = arith.constant 0 : index
    %get3A_1 = vector.load %arg2[%get3A, %get3A_0] : memref<10000x1xf32, #tpu.memory_space<vmem>>, vector<10000x1xf32>
    %get3A_2 = arith.constant 0 : index
    %get3A_3 = arith.constant 0 : index
    %get3A_4 = arith.constant 0 : index
    %get3A_5 = vector.load %arg0[%get3A_2, %get3A_3, %get3A_4] : memref<2x10240x128xf32, #tpu.memory_space<vmem>>, vector<1x10000x128xf32>
    %get3A_6 = vector.shape_cast %get3A_5 : vector<1x10000x128xf32> to vector<10000x128xf32>
    %get3A_7 = arith.constant 1 : index
    %get3A_8 = arith.constant 0 : index
    %get3A_9 = arith.constant 0 : index
    %get3A_10 = vector.load %arg0[%get3A_7, %get3A_8, %get3A_9] : memref<2x10240x128xf32, #tpu.memory_space<vmem>>, vector<1x10000x128xf32>
    %get3A_11 = vector.shape_cast %get3A_10 : vector<1x10000x128xf32> to vector<10000x128xf32>
    %add3A = arith.addf %get3A_6, %get3A_11 : vector<10000x128xf32>
    %get3A_12 = arith.constant 0 : index
    %get3A_13 = arith.constant 0 : index
    %get3A_14 = vector.load %arg1[%get3A_12, %get3A_13] : memref<10000x128xf32, #tpu.memory_space<vmem>>, vector<10000x128xf32>
    %add3A_15 = arith.addf %add3A, %get3A_14 : vector<10000x128xf32>
    %mul3A = vector.broadcast %get3A_1 : vector<10000x1xf32> to vector<10000x128xf32>
    %mul3A_16 = arith.mulf %mul3A, %add3A_15 : vector<10000x128xf32>
    %get3A_17 = arith.constant 0 : index
    %get3A_18 = arith.constant 0 : index
    %get3A_19 = vector.load %arg3[%get3A_17, %get3A_18] : memref<1x128xf32, #tpu.memory_space<vmem>>, vector<1x128xf32>
    %add3A_20 = vector.broadcast %get3A_19 : vector<1x128xf32> to vector<10000x128xf32>
    %add3A_21 = arith.addf %mul3A_16, %add3A_20 : vector<10000x128xf32>
    %swap3A = arith.constant 0 : index
    %swap3A_22 = arith.constant 0 : index
    %swap3A_23 = vector.load %arg4[%swap3A, %swap3A_22] : memref<10000x128xf32, #tpu.memory_space<vmem>>, vector<10000x128xf32>
    tpu.vector_store %arg4[%swap3A, %swap3A_22], %add3A_21 {strides = array<i32>} : memref<10000x128xf32, #tpu.memory_space<vmem>>, vector<10000x128xf32>,
    return
  }
}

</mosaic_0001>

<sc_bundles>
// kernel: kernel.11.cloned.1.call-start
scs
__scs_entry_jumppad:
0x0: {  	(pc) =	sbr.rel $0x88, $3  }
0x1: {  	(tag) =	ssettag $0x0;
	lr =	simm.s32 $0x1  }
0x2: {  	[smem:$0x3F95] =	sst lr;
	_ =	strace $0xD0000000  }
0x3: {  	_ = 	snop  }
0x4: {  	_ = 	snop  }
0x5: {  	_ = 	snop  }
0x6: {  	_ = 	snop  }
0x7: {  	_ = 	snop  }
__scs_overlays_trampoline_lowered:
0x8: {  	[smem:$0x3FA4] =	sst s0  }
0x9: {  	[smem:$0x3FA5] =	sst s1  }
0xa: {  	[smem:$0x3FA6] =	sst s2  }
0xb: {  	[smem:$0x3FA7] =	sst s3  }
0xc: {  	[smem:$0x3FA8] =	sst s4  }
0xd: {  	[smem:$0x3FA9] =	sst s5  }
0xe: {  	[smem:$0x3FAA] =	sst s6  }
0xf: {  	[smem:$0x3FAB] =	sst s7  }
0x10: {  	[smem:$0x3FAC] =	sst s8  }
0x11: {  	[smem:$0x3FAD] =	sst s9;
	s0 =	simm.s32 @!p0 $0x0  }
0x12: {  	s1 =	sld [smem:$0x3F93];
	s0 =	simm.s32 @p0 $0x1  }
0x13: {  	[smem:$0x3FAE] =	sst s0;
	s0 =	simm.s32 @!p1 $0x0  }
0x14: {  	s2 =	sld [smem:$0x3F92];
	s0 =	simm.s32 @p1 $0x1  }
0x15: {  	[smem:$0x3FAF] =	sst s0;
	s0 =	simm.s32 @!p2 $0x0  }
0x16: {  	s3 =	sld [smem:$0x3FDB];
	s0 =	simm.s32 @p2 $0x1  }
0x17: {  	s4 =	simm.s32 $0x1BF5;
	[smem:$0x3FB1] =	sst s0  }
0x18: {  	s0 =	sld [smem:$0x3F94];
	_ =	swait.ge [sflag:s4], $0x0  }
0x19: {  	s7 =	sld [smem:$0x3F95]  }
0x1a: {  	s8 =	sadd.s32 $0xFFFFE003, lr  }
0x1b: {  	s9 =	sadd.s32 $0xFFFFFEF7, lr;
	s5 =	simm.s32 $0xFFFFFFFF;
	p2 =	slt.u32 s8, $0xFFFFF086  }
0x1c: {  	p1 =	slt.u32 s9, $0xF7A;
	s5 =	simm.s32 @!p2 $0x0  }
0x1d: {  	s5 =	simm.s32 @p1 $0x1;
	p0 =	seq.s32 s7, s2  }
0x1e: {  	s7 =	smul.u32 @!p0 $0xF7A, s2;
	p2 =	seq.s32 @!p0 s5, $0x0  }
0x1f: {  	s9 =	smul.u32 $0xF7A, s1;
	s8 =	simm.s32 @!p0 $0x1BF5;
	p2 =	por !p2, p0  }
0x20: {  	[sflag:s8] =	ssyncset.s32 @!p0 $0xFFFFF086;
	s6 =	sadd.s32 @!p0 s3, s7;
	s7 =	simm.s32 @!p0 $0x108  }
0x21: {  	s3 =	sadd.s32 s3, s9;
	s6 =	sadd.s32 @!p0 $0x88, s6;
	s7 =	simm.s32 @p2 $0x1082  }
0x22: {  	[simem:s7], [sflag:s8] =	dma.local @!p0 [hbm:s6], $0xF7A  }
0x23: {  	s9 =	sor.u32 $0xD0000000, s2;
	s6 =	simm.s32 $0x108;
	_ =	swait.ge @!p0 [sflag:s8], $0x0  }
0x24: {  	s3 =	sadd.s32 $0x88, s3;
	s6 =	simm.s32 @!p1 $0x1082;
	[sflag:s4] =	ssyncset.s32 $0xFFFFF086  }
0x25: {  	[simem:s6], [sflag:s4] =	dma.local [hbm:s3], $0xF7A  }
0x26: {  	[smem:$0x3F95] =	sst s1;
	(tag) =	ssettag s2;
	_ =	strace s9  }
0x27: {  	s1 =	sld [smem:$0x3FA5]  }
0x28: {  	s2 =	sld [smem:$0x3FA6]  }
0x29: {  	s4 =	sld [smem:$0x3FA8]  }
0x2a: {  	p0 =	seq.s32 s5, $0x0;
	s5 =	sld [smem:$0x3FA9]  }
0x2b: {  	s6 =	sld [smem:$0x3FAA]  }
0x2c: {  	s7 =	sld [smem:$0x3FAB]  }
0x2d: {  	s3 =	simm.s32 $0x108;
	s8 =	sld [smem:$0x3FAC]  }
0x2e: {  	s3 =	simm.s32 @!p0 $0x1082;
	s9 =	sld [smem:$0x3FAD]  }
0x2f: {  	lr =	sadd.s32 s0, s3;
	s0 =	sld [smem:$0x3FA4]  }
0x30: {  	s3 =	sld [smem:$0x3FA7]  }
0x31: {  	[smem:$0x3FB0] =	sst s10  }
0x32: {  	s10 =	sld [smem:$0x3FAE];
	_ =	sdelay $0x3  }
0x33: {  	p0 =	seq.s32 s10, $0x1;
	s10 =	sld [smem:$0x3FB0];
	_ =	sdelay $0x3  }
0x34: {  	[smem:$0x3FB0] =	sst s10  }
0x35: {  	s10 =	sld [smem:$0x3FAF];
	_ =	sdelay $0x3  }
0x36: {  	p1 =	seq.s32 s10, $0x1;
	s10 =	sld [smem:$0x3FB0];
	_ =	sdelay $0x3  }
0x37: {  	[smem:$0x3FB0] =	sst s10  }
0x38: {  	s10 =	sld [smem:$0x3FB1]  }
0x39: {  	_ = 	snop;
	(pc) =	sbr.ind lr, $3  }
0x3a: {  	_ = 	snop  }
0x3b: {  	_ = 	snop  }
0x3c: {  	p2 =	seq.s32 s10, $0x1;
	s10 =	sld [smem:$0x3FB0]  }
0x3d: {  	_ =	shalt  }
0x3e: {  	_ =	shalt  }
0x3f: {  	_ =	shalt  }
0x40: {  	_ =	shalt  }
0x41: {  	_ =	shalt  }
0x42: {  	_ =	shalt  }
0x43: {  	_ =	shalt  }
0x44: {  	_ =	shalt  }
0x45: {  	_ =	shalt  }
0x46: {  	_ =	shalt  }
0x47: {  	_ =	shalt  }
0x48: {  	_ =	shalt  }
0x49: {  	_ =	shalt  }
0x4a: {  	_ =	shalt  }
0x4b: {  	_ =	shalt  }
0x4c: {  	_ =	shalt  }
0x4d: {  	_ =	shalt  }
0x4e: {  	_ =	shalt  }
0x4f: {  	_ =	shalt  }
0x50: {  	_ =	shalt  }
0x51: {  	_ =	shalt  }
0x52: {  	_ =	shalt  }
0x53: {  	_ =	shalt  }
0x54: {  	_ =	shalt  }
0x55: {  	_ =	shalt  }
0x56: {  	_ =	shalt  }
0x57: {  	_ =	shalt  }
0x58: {  	_ =	shalt  }
0x59: {  	_ =	shalt  }
0x5a: {  	_ =	shalt  }
0x5b: {  	_ =	shalt  }
0x5c: {  	_ =	shalt  }
0x5d: {  	_ =	shalt  }
0x5e: {  	_ =	shalt  }
0x5f: {  	_ =	shalt  }
0x60: {  	_ =	shalt  }
0x61: {  	_ =	shalt  }
0x62: {  	_ =	shalt  }
0x63: {  	_ =	shalt  }
0x64: {  	_ =	shalt  }
0x65: {  	_ =	shalt  }
0x66: {  	_ =	shalt  }
0x67: {  	_ =	shalt  }
0x68: {  	_ =	shalt  }
0x69: {  	_ =	shalt  }
0x6a: {  	_ =	shalt  }
0x6b: {  	_ =	shalt  }
0x6c: {  	_ =	shalt  }
0x6d: {  	_ =	shalt  }
0x6e: {  	_ =	shalt  }
0x6f: {  	_ =	shalt  }
0x70: {  	_ =	shalt  }
0x71: {  	_ =	shalt  }
0x72: {  	_ =	shalt  }
0x73: {  	_ =	shalt  }
0x74: {  	_ =	shalt  }
0x75: {  	_ =	shalt  }
0x76: {  	_ =	shalt  }
0x77: {  	_ =	shalt  }
0x78: {  	_ =	shalt  }
0x79: {  	_ =	shalt  }
0x7a: {  	_ =	shalt  }
0x7b: {  	_ =	shalt  }
0x7c: {  	_ =	shalt  }
0x7d: {  	_ =	shalt  }
0x7e: {  	_ =	shalt  }
0x7f: {  	_ =	shalt  }
0x80: {  	_ =	shalt  }
0x81: {  	_ =	shalt  }
0x82: {  	_ =	shalt  }
0x83: {  	_ =	shalt  }
0x84: {  	_ =	shalt  }
0x85: {  	_ =	shalt  }
0x86: {  	_ =	shalt  }
0x87: {  	_ =	shalt  }
.Lfunc_end0:
.L_simem_size_0:
called_computation_lowered:
.L_overlay_start_0:
0x88: {  	s2 =	sld [smem:$0x3FD9]  }
0x89: {  	s3 =	sld [smem:$0x3FFE];
	_ =	sdelay $0x1  }
0x8a: {  	s1 =	srdreg.scid  }
0x8b: {  	s0 =	sand.u32 $0x1, s1  }
0x8c: {  	s17 =	sshll.u32 s0, $0xA;
	s2 =	sadd.s32 s3, s2  }
0x8d: {  	s2 =	sadd.s32 s2, s17  }
0x8e: {  	[smem:$0x3FBC] =	sst s2  }
0x8f: {  	_ = 	snop  }
0x90: {  	s2 =	sld [smem:$0x3FD0];
	(tm) =	ssettm $0x1  }
0x91: {  	s18 =	sld [smem:$0x3FFB];
	_ =	sdelay $0x3  }
0x92: {  	_ =	strace s18  }
0x93: {  	s3 =	sld [smem:$0x3FFC];
	_ =	sdelay $0x3  }
0x94: {  	_ =	strace s3  }
0x95: {  	s3 =	sld [smem:$0x3FFD];
	_ =	sdelay $0x3  }
0x96: {  	_ =	strace s3  }
0x97: {  	_ =	strace $0x8FFFFFFF  }
0x98: {  	s19 =	sld [smem:$0x3FDB];
	_ =	sdelay $0x1  }
0x99: {  	s4 =	simm.s32 $_scs_section_size  }
0x9a: {  	s5 =	simm.s32 $_size__tile_overlayer_lowered;
	s6 =	simm.s32 $_tile_overlayer_lowered  }
0x9b: {  	s22 =	simm.s32 $0x1BFF;
	s21 =	sshll.u32 s6, $0x1;
	s3 =	sadd.s32 s4, s19  }
0x9c: {  	s7 =	simm.s32 $0x0;
	s20 =	sshll.u32 s5, $0x1;
	s5 =	sadd.s32 s21, s3  }
0x9d: {  	[timem:s7], [sflag:s22] =	dma.local [hbm:s5], s20  }
0x9e: {  	_ =	swait.ge [sflag:s22], s20  }
0x9f: {  	s4 =	ssub.s32 $0x0, s20;
	[sflag:s22] =	ssyncset.done $0x0  }
0xa0: {  	[sflag:s22] =	ssyncadd.s32 s4;
	_ =	sdelay $0x1  }
0xa1: {  	s23 =	simm.s32 $0x1B8B  }
0xa2: {  	_ =	swait.ge [sflag:s23], $0x1  }
0xa3: {  	[sflag:s23] =	ssyncset.done $0x0  }
0xa4: {  	s25 =	simm.s32 $0x1B8E;
	s24 =	sld [smem:$0x3FFE];
	[sflag:s23] =	ssyncadd.s32 $0xFFFFFFFF  }
0xa5: {  	s26 =	simm.s32 $execute0_lowered;
	[smem:$0x3FD2] =	sst s25  }
0xa6: {  	s5 =	sshll.u32 s26, $0x1;
	_ =	strace $0x80000046;
	[dreg:$0x1] =	wrdreg $0xFFFFFFFF  }
0xa7: {  	s28 =	simm.s32 $_size_execute0_lowered;
	s3 =	sadd.s32 s3, s5;
	[dreg:$0x0] =	wrdreg $0x0  }
0xa8: {  	s5 =	sshll.u32 s28, $0x1;
	[dreg:$0x2] =	wrdreg s3  }
0xa9: {  	[dreg:$0x3] =	wrdreg s5  }
0xaa: {  	[dreg:$0x4] =	wrdreg $0xC0  }
0xab: {  	_ =	task [dreg:s7], $0x5FFFF  }
0xac: {  	[dreg:$0x1] =	wrdreg $0xFFFFFFFF  }
0xad: {  	[dreg:$0x0] =	wrdreg $0x60  }
0xae: {  	[dreg:$0x2] =	wrdreg s24  }
0xaf: {  	[dreg:$0x3] =	wrdreg s2  }
0xb0: {  	[dreg:$0x4] =	wrdreg $0x2B000  }
0xb1: {  	[dreg:$0x5] =	wrdreg $0x9  }
0xb2: {  	_ =	task.clear_ibuf [dreg:s7], $0x6FFFF;
	_ =	strace $0x90000046  }
0xb3: {  	s29 =	simm.s32 $0x9;
	_ =	strace $0x80000048  }
0xb4: {  	_ =	swait.ge [sflag:s29], $0x1  }
0xb5: {  	[sflag:s29] =	ssyncadd.s32 $0xFFFFFFFF  }
0xb6: {  	_ =	strace $0x90000048  }
0xb7: {  	_ =	sfence  }
0xb8: {  	s30 =	sld [smem:$0x0];
	_ =	sdelay $0x2  }
0xb9: {  	s31 =	sshll.u32 s1, $0xD;
	s1 =	sshrl.u32 s1, $0x2  }
0xba: {  	s3 =	sand.u32 $0x4000, s31;
	s1 =	sadd.s32 s1, s30  }
0xbb: {  	s0 =	sor.u32 s3, s0;
	s1 =	sshll.u32 s1, $0x11  }
0xbc: {  	s0 =	sor.u32 s1, s0  }
0xbd: {  	s0 =	sadd.s32 $0x8F2B, s0  }
0xbe: {  	[sflag:s0] =	ssyncadd.remote.s32 $0x1  }
0xbf: {  	_ =	sfence.sel $0xFFFF  }
0xc0: {  	[dreg:$0x0] =	wrdreg $0xFFFFFFFF;
	(pc) =	sbr.abs _section_cstart, $3  }
0xc1: {  	[dreg:$0x1] =	wrdreg $0xFFFFFFFF  }
0xc2: {  	_ =	task.clear_ibuf [dreg:s7], $0x2FFFF;
	_ =	strace $0x9FFFFFFF  }
0xc3: {  	(tm) =	ssettm $0x7FFFFFFF  }
tec
execute0_lowered:
.L_overlay_start_1:
0x0: {  	(tag) =	ssettag $0x1  }
0x1: {  	s5 =	rddreg [dreg:$0x0]  }
0x2: {  	s0 =	srdreg.scid;
	s8 =	rddreg [dreg:$0x1]  }
0x3: {  	s2 =	rddreg [dreg:$0x2];
	s3 =	simm.s32 $0x0;
	s13 =	simm.s32 $0x7D  }
0x4: {  	s14 =	simm.s32 $0x80;
	s15 =	simm.s32 $0x100;
	s16 =	simm.s32 $0x0  }
0x5: {  	s6 =	sand.u32 $0x1, s0;
	s0 =	stileid.u32;
	[smem:$0x7FF] =	sst s3  }
0x6: {  	s1 =	sshll.u32 s6, $0x4;
	s9 =	smul.u32 $0xA00, s0;
	s10 =	ssub.s32 $0x2, s6  }
0x7: {  	s11 =	smul.u32 $0x500, s0;
	s6 =	sshll.u32 s6, $0x7;
	s4 =	sor.u32 s0, s1  }
0x8: {  	s1 =	rddreg [dreg:$0x3];
	_ =	strace $0x80000047;
	s12 =	sshrl.u32 s10, $0x1  }
0x9: {  	s4 =	smul.u32 $0x500, s4;
	s10 =	ssub.s32 s10, s12;
	s11 =	sor.u32 s6, s11  }
0xa: {  	s9 =	sshrl.u32 s9, $0x2;
	s12 =	simm.s32 $0x2880;
	s31 =	sshrl.u32 s11, $0x3  }
0xb: {  	s11 =	simm.s32 $0x2800;
	s7 =	sadd.s32 s4, s5;
	s4 =	sadd.s32 $0xD600, s5  }
0xc: {  	s5 =	sadd.s32 $0xD400, s5;
	s8 =	sadd.s32 s8, s31;
	s6 =	sadd.s32 $0x3400, s7  }
0xd: {  	s7 =	sadd.s32 s9, s2;
	s9 =	smax.u32 s10, $0x1;
	s10 =	simm.s32 $0x1  }
.LBB2_1:
0xe: {  	[tilespmem:s3], [sflag:$0x1] =	stream.linear.gather [hbm4b:s6+s3], $0x2800, $0x38;
	[tilespmem:$0x2D80] =	vst v63  }
0xf: {  	_ =	swait.ge [sflag:s10], $0x2800  }
0x10: {  	[sflag:s10] =	ssyncset.done $0x0  }
0x11: {  	[sflag:s10] =	ssyncadd.s32 $0xFFFFD800  }
0x12: {  	[tilespmem:s11], [sflag:$0x1] =	stream.linear.gather [hbm4b:s4+s3], $0x80, $0x38;
	[tilespmem:$0x2D80] =	vst v63  }
0x13: {  	_ =	swait.ge [sflag:s10], $0x80  }
0x14: {  	[sflag:s10] =	ssyncset.done $0x0  }
0x15: {  	[sflag:s10] =	ssyncadd.s32 $0xFFFFFF80  }
0x16: {  	[tilespmem:s12], [sflag:$0x1] =	stream.linear.gather [hbm4b:s5+s3], $0x280, $0x38;
	[tilespmem:$0x2D80] =	vst v63  }
0x17: {  	_ =	swait.ge [sflag:s10], $0x280  }
0x18: {  	[sflag:s10] =	ssyncset.done $0x0  }
0x19: {  	[sflag:s10] =	ssyncadd.s32 $0xFFFFFD80  }
0x1a: {  	[spmem:s7] =	stream.linear.scatter [tilespmem:s12], [sflag:$0x1], $0x280, $0x38;
	[tilespmem:$0x2D80] =	vst v63  }
0x1b: {  	_ =	swait.ge [sflag:s10], $0x280  }
0x1c: {  	[sflag:s10] =	ssyncset.done $0x0  }
0x1d: {  	[sflag:s10] =	ssyncadd.s32 $0xFFFFFD80  }
0x1e: {  	s17 =	simm.s32 $0x0;
	[bflag:$0x0] =	sbarrier.arrive $0xFFFF  }
0x1f: {  	[spmem:s2] =	stream.indirect.scatter.add.f32 [tilespmem:s11], [sflag:$0x1], $0x1, s17, s13, $0xb8;
	[tilespmem:$0x2D80] =	vst v63  }
0x20: {  	_ =	swait.ge [sflag:s10], $0x7D  }
0x21: {  	s17 =	simm.s32 $0x200;
	[sflag:s10] =	ssyncset.done $0x0  }
.LBB2_2:
0x22: {  	s18 =	sshra.s32 s17, $0x2;
	[sflag:s10] =	ssyncadd.s32 $0xFFFFFF83;
	p0 =	sne.s32 s17, $0x9E00  }
0x23: {  	[spmem:s2] =	stream.indirect.scatter.add.f32 [tilespmem:s11], [sflag:$0x1], $0x1, s18, s13, $0xb8;
	[tilespmem:$0x2D80] =	vst v63  }
.Ltmp0:
0x24: {  	_ = 	snop;
	(pc) =	sbr.rel @p0 .LBB2_2-.Ltmp0, $4  }
0x25: {  	_ = 	snop  }
0x26: {  	s17 =	sadd.s32 $0x200, s17  }
0x27: {  	_ =	swait.ge [sflag:s10], $0x7D  }
0x28: {  	[sflag:s10] =	ssyncset.done $0x0  }
0x29: {  	[sflag:s10] =	ssyncadd.s32 $0xFFFFFF83  }
0x2a: {  	[bflag:$0x0] =	sbarrier.arrive $0xFFFF  }
0x2b: {  	[tilespmem:s12], [sflag:$0x1] =	stream.linear.gather [spmem:s7], $0x280, $0x38;
	[tilespmem:$0x2D80] =	vst v63  }
0x2c: {  	s16 =	sadd.s32 $0x1, s16;
	_ =	swait.ge [sflag:s10], $0x280  }
0x2d: {  	p0 =	sne.s32 s16, s9;
	[sflag:s10] =	ssyncset.done $0x0  }
.Ltmp1:
0x2e: {  	[sflag:s10] =	ssyncadd.s32 $0xFFFFFD80;
	(pc) =	sbr.rel @p0 .LBB2_1-.Ltmp1, $4  }
0x2f: {  	[hbm4b:s8+s14] =	stream.strided.scatter [tilespmem:s12], [sflag:$0x1], $0x280, s15, s14, $0x38;
	[tilespmem:$0x2D80] =	vst v63  }
0x30: {  	_ =	swait.ge [sflag:s10], $0x280  }
0x31: {  	[sflag:s10] =	ssyncset.done $0x0  }
0x32: {  	[sflag:s10] =	ssyncadd.s32 $0xFFFFFD80  }
0x33: {  	_ =	sfence.sel $0x180000  }
0x34: {  	[bflag:$0x0] =	sbarrier.arrive $0xFFFF  }
0x35: {  	p0 =	sne.s32 s0, $0x0;
	_ =	strace $0x90000047  }
0x36: {  	s0 =	sadd.s32 @!p0 $0x100000, s1;
	[bflag:$0x2] =	sbarrier.arrive $0xFFFF  }
0x37: {  	[sflag:s0] =	ssyncadd.tile.s32 @!p0 $0x1;
	_ =	shalt  }
.Lfunc_end2:
_tile_overlayer_lowered:
.L_overlay_start_2:
0x38: {  	(tag) =	ssettag $0x2  }
0x39: {  	s0 =	rddreg [dreg:$0x0];
	s2 =	stileid.u32  }
0x3a: {  	s1 =	rddreg [dreg:$0x1];
	p0 =	sne.s32 s2, $0x0  }
0x3b: {  	s3 =	rddreg [dreg:$0x2];
	[bflag:$0x3] =	sbarrier.arrive $0xFFFF;
	s2 =	simm.s32 @!p0 $0x1C01  }
0x3c: {  	[timem:s3], [sflag:s2] =	dma.local @!p0 [hbm:s0], s1  }
0x3d: {  	s0 =	simm.s32 @!p0 $0x1  }
0x3e: {  	_ =	swait.ge @!p0 [sflag:s0], s1  }
0x3f: {  	s1 =	ssub.s32 @!p0 $0x0, s1;
	[sflag:s0] =	ssyncset.done @!p0 $0x0  }
0x40: {  	[sflag:s0] =	ssyncadd.s32 @!p0 s1  }
0x41: {  	[bflag:$0x3] =	sbarrier.arrive $0xFFFF  }
0x42: {  	_ =	shalt  }

// kernel: kernel.14.cloned.1.call-start
scs
__scs_entry_jumppad:
0x0: {  	(pc) =	sbr.rel $0x88, $3  }
0x1: {  	(tag) =	ssettag $0x0;
	lr =	simm.s32 $0x1  }
0x2: {  	[smem:$0x3F95] =	sst lr;
	_ =	strace $0xD0000000  }
0x3: {  	_ = 	snop  }
0x4: {  	_ = 	snop  }
0x5: {  	_ = 	snop  }
0x6: {  	_ = 	snop  }
0x7: {  	_ = 	snop  }
__scs_overlays_trampoline_lowered:
0x8: {  	[smem:$0x3FA4] =	sst s0  }
0x9: {  	[smem:$0x3FA5] =	sst s1  }
0xa: {  	[smem:$0x3FA6] =	sst s2  }
0xb: {  	[smem:$0x3FA7] =	sst s3  }
0xc: {  	[smem:$0x3FA8] =	sst s4  }
0xd: {  	[smem:$0x3FA9] =	sst s5  }
0xe: {  	[smem:$0x3FAA] =	sst s6  }
0xf: {  	[smem:$0x3FAB] =	sst s7  }
0x10: {  	[smem:$0x3FAC] =	sst s8  }
0x11: {  	[smem:$0x3FAD] =	sst s9;
	s0 =	simm.s32 @!p0 $0x0  }
0x12: {  	s1 =	sld [smem:$0x3F93];
	s0 =	simm.s32 @p0 $0x1  }
0x13: {  	[smem:$0x3FAE] =	sst s0;
	s0 =	simm.s32 @!p1 $0x0  }
0x14: {  	s2 =	sld [smem:$0x3F92];
	s0 =	simm.s32 @p1 $0x1  }
0x15: {  	[smem:$0x3FAF] =	sst s0;
	s0 =	simm.s32 @!p2 $0x0  }
0x16: {  	s3 =	sld [smem:$0x3FDB];
	s0 =	simm.s32 @p2 $0x1  }
0x17: {  	s4 =	simm.s32 $0x1BF5;
	[smem:$0x3FB1] =	sst s0  }
0x18: {  	s0 =	sld [smem:$0x3F94];
	_ =	swait.ge [sflag:s4], $0x0  }
0x19: {  	s7 =	sld [smem:$0x3F95]  }
0x1a: {  	s8 =	sadd.s32 $0xFFFFE003, lr  }
0x1b: {  	s9 =	sadd.s32 $0xFFFFFEF7, lr;
	s5 =	simm.s32 $0xFFFFFFFF;
	p2 =	slt.u32 s8, $0xFFFFF086  }
0x1c: {  	p1 =	slt.u32 s9, $0xF7A;
	s5 =	simm.s32 @!p2 $0x0  }
0x1d: {  	s5 =	simm.s32 @p1 $0x1;
	p0 =	seq.s32 s7, s2  }
0x1e: {  	s7 =	smul.u32 @!p0 $0xF7A, s2;
	p2 =	seq.s32 @!p0 s5, $0x0  }
0x1f: {  	s9 =	smul.u32 $0xF7A, s1;
	s8 =	simm.s32 @!p0 $0x1BF5;
	p2 =	por !p2, p0  }
0x20: {  	[sflag:s8] =	ssyncset.s32 @!p0 $0xFFFFF086;
	s6 =	sadd.s32 @!p0 s3, s7;
	s7 =	simm.s32 @!p0 $0x108  }
0x21: {  	s3 =	sadd.s32 s3, s9;
	s6 =	sadd.s32 @!p0 $0x88, s6;
	s7 =	simm.s32 @p2 $0x1082  }
0x22: {  	[simem:s7], [sflag:s8] =	dma.local @!p0 [hbm:s6], $0xF7A  }
0x23: {  	s9 =	sor.u32 $0xD0000000, s2;
	s6 =	simm.s32 $0x108;
	_ =	swait.ge @!p0 [sflag:s8], $0x0  }
0x24: {  	s3 =	sadd.s32 $0x88, s3;
	s6 =	simm.s32 @!p1 $0x1082;
	[sflag:s4] =	ssyncset.s32 $0xFFFFF086  }
0x25: {  	[simem:s6], [sflag:s4] =	dma.local [hbm:s3], $0xF7A  }
0x26: {  	[smem:$0x3F95] =	sst s1;
	(tag) =	ssettag s2;
	_ =	strace s9  }
0x27: {  	s1 =	sld [smem:$0x3FA5]  }
0x28: {  	s2 =	sld [smem:$0x3FA6]  }
0x29: {  	s4 =	sld [smem:$0x3FA8]  }
0x2a: {  	p0 =	seq.s32 s5, $0x0;
	s5 =	sld [smem:$0x3FA9]  }
0x2b: {  	s6 =	sld [smem:$0x3FAA]  }
0x2c: {  	s7 =	sld [smem:$0x3FAB]  }
0x2d: {  	s3 =	simm.s32 $0x108;
	s8 =	sld [smem:$0x3FAC]  }
0x2e: {  	s3 =	simm.s32 @!p0 $0x1082;
	s9 =	sld [smem:$0x3FAD]  }
0x2f: {  	lr =	sadd.s32 s0, s3;
	s0 =	sld [smem:$0x3FA4]  }
0x30: {  	s3 =	sld [smem:$0x3FA7]  }
0x31: {  	[smem:$0x3FB0] =	sst s10  }
0x32: {  	s10 =	sld [smem:$0x3FAE];
	_ =	sdelay $0x3  }
0x33: {  	p0 =	seq.s32 s10, $0x1;
	s10 =	sld [smem:$0x3FB0];
	_ =	sdelay $0x3  }
0x34: {  	[smem:$0x3FB0] =	sst s10  }
0x35: {  	s10 =	sld [smem:$0x3FAF];
	_ =	sdelay $0x3  }
0x36: {  	p1 =	seq.s32 s10, $0x1;
	s10 =	sld [smem:$0x3FB0];
	_ =	sdelay $0x3  }
0x37: {  	[smem:$0x3FB0] =	sst s10  }
0x38: {  	s10 =	sld [smem:$0x3FB1]  }
0x39: {  	_ = 	snop;
	(pc) =	sbr.ind lr, $3  }
0x3a: {  	_ = 	snop  }
0x3b: {  	_ = 	snop  }
0x3c: {  	p2 =	seq.s32 s10, $0x1;
	s10 =	sld [smem:$0x3FB0]  }
0x3d: {  	_ =	shalt  }
0x3e: {  	_ =	shalt  }
0x3f: {  	_ =	shalt  }
0x40: {  	_ =	shalt  }
0x41: {  	_ =	shalt  }
0x42: {  	_ =	shalt  }
0x43: {  	_ =	shalt  }
0x44: {  	_ =	shalt  }
0x45: {  	_ =	shalt  }
0x46: {  	_ =	shalt  }
0x47: {  	_ =	shalt  }
0x48: {  	_ =	shalt  }
0x49: {  	_ =	shalt  }
0x4a: {  	_ =	shalt  }
0x4b: {  	_ =	shalt  }
0x4c: {  	_ =	shalt  }
0x4d: {  	_ =	shalt  }
0x4e: {  	_ =	shalt  }
0x4f: {  	_ =	shalt  }
0x50: {  	_ =	shalt  }
0x51: {  	_ =	shalt  }
0x52: {  	_ =	shalt  }
0x53: {  	_ =	shalt  }
0x54: {  	_ =	shalt  }
0x55: {  	_ =	shalt  }
0x56: {  	_ =	shalt  }
0x57: {  	_ =	shalt  }
0x58: {  	_ =	shalt  }
0x59: {  	_ =	shalt  }
0x5a: {  	_ =	shalt  }
0x5b: {  	_ =	shalt  }
0x5c: {  	_ =	shalt  }
0x5d: {  	_ =	shalt  }
0x5e: {  	_ =	shalt  }
0x5f: {  	_ =	shalt  }
0x60: {  	_ =	shalt  }
0x61: {  	_ =	shalt  }
0x62: {  	_ =	shalt  }
0x63: {  	_ =	shalt  }
0x64: {  	_ =	shalt  }
0x65: {  	_ =	shalt  }
0x66: {  	_ =	shalt  }
0x67: {  	_ =	shalt  }
0x68: {  	_ =	shalt  }
0x69: {  	_ =	shalt  }
0x6a: {  	_ =	shalt  }
0x6b: {  	_ =	shalt  }
0x6c: {  	_ =	shalt  }
0x6d: {  	_ =	shalt  }
0x6e: {  	_ =	shalt  }
0x6f: {  	_ =	shalt  }
0x70: {  	_ =	shalt  }
0x71: {  	_ =	shalt  }
0x72: {  	_ =	shalt  }
0x73: {  	_ =	shalt  }
0x74: {  	_ =	shalt  }
0x75: {  	_ =	shalt  }
0x76: {  	_ =	shalt  }
0x77: {  	_ =	shalt  }
0x78: {  	_ =	shalt  }
0x79: {  	_ =	shalt  }
0x7a: {  	_ =	shalt  }
0x7b: {  	_ =	shalt  }
0x7c: {  	_ =	shalt  }
0x7d: {  	_ =	shalt  }
0x7e: {  	_ =	shalt  }
0x7f: {  	_ =	shalt  }
0x80: {  	_ =	shalt  }
0x81: {  	_ =	shalt  }
0x82: {  	_ =	shalt  }
0x83: {  	_ =	shalt  }
0x84: {  	_ =	shalt  }
0x85: {  	_ =	shalt  }
0x86: {  	_ =	shalt  }
0x87: {  	_ =	shalt  }
.Lfunc_end0:
.L_simem_size_0:
called_computation.1_lowered:
.L_overlay_start_0:
0x88: {  	s2 =	sld [smem:$0x3FD9]  }
0x89: {  	s3 =	sld [smem:$0x3FFE];
	_ =	sdelay $0x1  }
0x8a: {  	s1 =	srdreg.scid  }
0x8b: {  	s0 =	sand.u32 $0x1, s1  }
0x8c: {  	s17 =	sshll.u32 s0, $0xA;
	s2 =	sadd.s32 s3, s2  }
0x8d: {  	s2 =	sadd.s32 s2, s17  }
0x8e: {  	[smem:$0x3FBC] =	sst s2  }
0x8f: {  	_ = 	snop  }
0x90: {  	s2 =	sld [smem:$0x3FD0];
	(tm) =	ssettm $0x1  }
0x91: {  	s18 =	sld [smem:$0x3FFB];
	_ =	sdelay $0x3  }
0x92: {  	_ =	strace s18  }
0x93: {  	s3 =	sld [smem:$0x3FFC];
	_ =	sdelay $0x3  }
0x94: {  	_ =	strace s3  }
0x95: {  	s3 =	sld [smem:$0x3FFD];
	_ =	sdelay $0x3  }
0x96: {  	_ =	strace s3  }
0x97: {  	_ =	strace $0x8FFFFFFF  }
0x98: {  	s19 =	sld [smem:$0x3FDB];
	_ =	sdelay $0x1  }
0x99: {  	s4 =	simm.s32 $_scs_section_size  }
0x9a: {  	s5 =	simm.s32 $_size__tile_overlayer_lowered;
	s6 =	simm.s32 $_tile_overlayer_lowered  }
0x9b: {  	s22 =	simm.s32 $0x1BFF;
	s21 =	sshll.u32 s6, $0x1;
	s3 =	sadd.s32 s4, s19  }
0x9c: {  	s7 =	simm.s32 $0x0;
	s20 =	sshll.u32 s5, $0x1;
	s5 =	sadd.s32 s21, s3  }
0x9d: {  	[timem:s7], [sflag:s22] =	dma.local [hbm:s5], s20  }
0x9e: {  	_ =	swait.ge [sflag:s22], s20  }
0x9f: {  	s4 =	ssub.s32 $0x0, s20;
	[sflag:s22] =	ssyncset.done $0x0  }
0xa0: {  	[sflag:s22] =	ssyncadd.s32 s4;
	_ =	sdelay $0x1  }
0xa1: {  	s23 =	simm.s32 $0x1B8B  }
0xa2: {  	_ =	swait.ge [sflag:s23], $0x1  }
0xa3: {  	[sflag:s23] =	ssyncset.done $0x0  }
0xa4: {  	s25 =	simm.s32 $0x1B8E;
	s24 =	sld [smem:$0x3FFE];
	[sflag:s23] =	ssyncadd.s32 $0xFFFFFFFF  }
0xa5: {  	s26 =	simm.s32 $execute0_lowered;
	[smem:$0x3FD2] =	sst s25  }
0xa6: {  	s5 =	sshll.u32 s26, $0x1;
	_ =	strace $0x80000049;
	[dreg:$0x1] =	wrdreg $0xFFFFFFFF  }
0xa7: {  	s28 =	simm.s32 $_size_execute0_lowered;
	s3 =	sadd.s32 s3, s5;
	[dreg:$0x0] =	wrdreg $0x0  }
0xa8: {  	s5 =	sshll.u32 s28, $0x1;
	[dreg:$0x2] =	wrdreg s3  }
0xa9: {  	[dreg:$0x3] =	wrdreg s5  }
0xaa: {  	[dreg:$0x4] =	wrdreg $0xC0  }
0xab: {  	_ =	task [dreg:s7], $0x5FFFF  }
0xac: {  	[dreg:$0x1] =	wrdreg $0xFFFFFFFF  }
0xad: {  	[dreg:$0x0] =	wrdreg $0x60  }
0xae: {  	[dreg:$0x2] =	wrdreg s24  }
0xaf: {  	[dreg:$0x3] =	wrdreg s2  }
0xb0: {  	[dreg:$0x4] =	wrdreg $0x90000  }
0xb1: {  	[dreg:$0x5] =	wrdreg $0x9  }
0xb2: {  	_ =	task.clear_ibuf [dreg:s7], $0x6FFFF;
	_ =	strace $0x90000049  }
0xb3: {  	s29 =	simm.s32 $0x9;
	_ =	strace $0x8000004B  }
0xb4: {  	_ =	swait.ge [sflag:s29], $0x1  }
0xb5: {  	[sflag:s29] =	ssyncadd.s32 $0xFFFFFFFF  }
0xb6: {  	_ =	strace $0x9000004B  }
0xb7: {  	_ =	sfence  }
0xb8: {  	s30 =	sld [smem:$0x0];
	_ =	sdelay $0x2  }
0xb9: {  	s31 =	sshll.u32 s1, $0xD;
	s1 =	sshrl.u32 s1, $0x2  }
0xba: {  	s3 =	sand.u32 $0x4000, s31;
	s1 =	sadd.s32 s1, s30  }
0xbb: {  	s0 =	sor.u32 s3, s0;
	s1 =	sshll.u32 s1, $0x11  }
0xbc: {  	s0 =	sor.u32 s1, s0  }
0xbd: {  	s0 =	sadd.s32 $0x8F2B, s0  }
0xbe: {  	[sflag:s0] =	ssyncadd.remote.s32 $0x1  }
0xbf: {  	_ =	sfence.sel $0xFFFF  }
0xc0: {  	[dreg:$0x0] =	wrdreg $0xFFFFFFFF;
	(pc) =	sbr.abs _section_cstart, $3  }
0xc1: {  	[dreg:$0x1] =	wrdreg $0xFFFFFFFF  }
0xc2: {  	_ =	task.clear_ibuf [dreg:s7], $0x2FFFF;
	_ =	strace $0x9FFFFFFF  }
0xc3: {  	(tm) =	ssettm $0x7FFFFFFF  }
tec
execute0_lowered:
.L_overlay_start_1:
0x0: {  	(tag) =	ssettag $0x1  }
0x1: {  	s6 =	rddreg [dreg:$0x0]  }
0x2: {  	s0 =	srdreg.scid;
	s2 =	rddreg [dreg:$0x1]  }
0x3: {  	s3 =	rddreg [dreg:$0x2];
	s4 =	simm.s32 $0x0;
	s14 =	simm.s32 $0x7D  }
0x4: {  	s15 =	simm.s32 $0x5000;
	s16 =	simm.s32 $0x1;
	s5 =	sand.u32 $0x1, s0  }
0x5: {  	s17 =	simm.s32 $0x0;
	s0 =	stileid.u32;
	s8 =	smul.u32 $0x140000, s5  }
0x6: {  	[smem:$0x7FF] =	sst s4;
	s1 =	sshll.u32 s5, $0x4;
	s9 =	smul.u32 $0x14000, s0  }
0x7: {  	s30 =	ssub.s32 $0x2, s5;
	s11 =	smul.u32 $0x50000, s0;
	s5 =	sadd.s32 $0x17800, s6  }
0x8: {  	s12 =	sshll.u32 s0, $0x6;
	s1 =	sor.u32 s0, s1;
	s10 =	sshrl.u32 s30, $0x1  }
0x9: {  	s12 =	sor.u32 $0x1C02, s12;
	s7 =	smul.u32 $0x500, s1;
	s1 =	rddreg [dreg:$0x3]  }
0xa: {  	_ =	strace $0x8000004A;
	s8 =	sadd.s32 s9, s8;
	s9 =	ssub.s32 s30, s10  }
0xb: {  	s31 =	sshrl.u32 s11, $0x2;
	s10 =	simm.s32 $0x2;
	s11 =	simm.s32 $0x2800  }
0xc: {  	s8 =	sshrl.u32 s8, $0x3;
	s13 =	sadd.s32 s31, s3;
	s9 =	smax.u32 s9, $0x1  }
0xd: {  	s7 =	sadd.s32 s7, s6;
	s8 =	sadd.s32 s8, s6;
	s13 =	sshrl.u32 s13, $0x3  }
0xe: {  	s6 =	sadd.s32 $0xD800, s7;
	s7 =	sadd.s32 $0x3400, s7;
	s8 =	sadd.s32 $0x1A000, s8  }
.LBB2_1:
0xf: {  	[tilespmem:s4], [sflag:$0x2] =	stream.linear.gather [hbm4b:s6+s4], $0x2800, $0x38;
	[tilespmem:$0x1D000] =	vst v63  }
0x10: {  	_ =	swait.ge [sflag:s10], $0x2800  }
0x11: {  	[sflag:s10] =	ssyncset.done $0x0  }
0x12: {  	[sflag:s10] =	ssyncadd.s32 $0xFFFFD800  }
0x13: {  	[tilespmem:s11], [sflag:$0x2] =	stream.linear.gather [hbm4b:s7+s4], $0x2800, $0x38;
	[tilespmem:$0x1D000] =	vst v63  }
0x14: {  	_ =	swait.ge [sflag:s10], $0x2800  }
0x15: {  	[sflag:s10] =	ssyncset.done $0x0  }
0x16: {  	[sflag:s10] =	ssyncadd.s32 $0xFFFFD800  }
0x17: {  	[spmem:s13], [sflag:s12] =	dma.local [hbm:s5], $0x2800  }
0x18: {  	_ =	swait.ge [sflag:s10], $0x2800  }
0x19: {  	[sflag:s10] =	ssyncset.done $0x0  }
0x1a: {  	[sflag:s10] =	ssyncadd.s32 $0xFFFFD800  }
0x1b: {  	s18 =	simm.s32 $0x0;
	[bflag:$0x0] =	sbarrier.arrive $0xFFFF  }
0x1c: {  	[tilespmem:s15], [sflag:$0x1] =	stream.indirect.gather [hbm4b:s2+s14], $0x80, s18, s14, $0xb8;
	[tilespmem:$0x1D000] =	vst v63  }
0x1d: {  	_ =	swait.ge [sflag:s16], $0x3E80  }
0x1e: {  	[sflag:s16] =	ssyncset.done $0x0  }
0x1f: {  	s31 =	simm.s32 $0x2800;
	[sflag:s16] =	ssyncadd.s32 $0xFFFFC180  }
0x20: {  	[spmem:s3] =	stream.indirect.scatter.add.f32 [tilespmem:s15], [sflag:$0x2], $0x80, s31, s14, $0xb8;
	[tilespmem:$0x1D000] =	vst v63  }
0x21: {  	_ =	swait.ge [sflag:s10], $0x3E80  }
0x22: {  	s19 =	simm.s32 $0x400;
	s18 =	simm.s32 $0x200;
	[sflag:s10] =	ssyncset.done $0x0  }
.LBB2_2:
0x23: {  	s20 =	sshra.s32 s18, $0x2  }
0x24: {  	[sflag:s10] =	ssyncadd.s32 $0xFFFFC180;
	s18 =	smov.u32 s19;
	s21 =	sadd.s32 $0x200, s19  }
0x25: {  	[tilespmem:s15], [sflag:$0x1] =	stream.indirect.gather [hbm4b:s2+s14], $0x80, s20, s14, $0xb8;
	[tilespmem:$0x1D000] =	vst v63  }
0x26: {  	p0 =	sne.s32 s19, $0x9E00;
	_ =	swait.ge [sflag:s16], $0x3E80  }
.Ltmp0:
0x27: {  	[sflag:s16] =	ssyncset.done $0x0;
	(pc) =	sbr.rel @p0 .LBB2_2-.Ltmp0, $4  }
0x28: {  	s19 =	sadd.s32 $0x2800, s20;
	[sflag:s16] =	ssyncadd.s32 $0xFFFFC180  }
0x29: {  	[spmem:s3] =	stream.indirect.scatter.add.f32 [tilespmem:s15], [sflag:$0x2], $0x80, s19, s14, $0xb8;
	[tilespmem:$0x1D000] =	vst v63  }
0x2a: {  	_ =	swait.ge [sflag:s10], $0x3E80  }
0x2b: {  	s19 =	smov.u32 s21;
	[sflag:s10] =	ssyncset.done $0x0  }
0x2c: {  	s18 =	sshra.s32 s18, $0x2;
	[sflag:s10] =	ssyncadd.s32 $0xFFFFC180  }
0x2d: {  	[tilespmem:s15], [sflag:$0x1] =	stream.indirect.gather [hbm4b:s2+s14], $0x80, s18, s14, $0xb8;
	[tilespmem:$0x1D000] =	vst v63  }
0x2e: {  	_ =	swait.ge [sflag:s16], $0x3E80  }
0x2f: {  	[sflag:s16] =	ssyncset.done $0x0  }
0x30: {  	s18 =	sadd.s32 $0x2800, s18;
	[sflag:s16] =	ssyncadd.s32 $0xFFFFC180  }
0x31: {  	[spmem:s3] =	stream.indirect.scatter.add.f32 [tilespmem:s15], [sflag:$0x2], $0x80, s18, s14, $0xb8;
	[tilespmem:$0x1D000] =	vst v63  }
0x32: {  	_ =	swait.ge [sflag:s10], $0x3E80  }
0x33: {  	s17 =	sadd.s32 $0x1, s17;
	[sflag:s10] =	ssyncset.done $0x0  }
0x34: {  	p0 =	sne.s32 s17, s9;
	[sflag:s10] =	ssyncadd.s32 $0xFFFFC180  }
.Ltmp1:
0x35: {  	[bflag:$0x0] =	sbarrier.arrive $0xFFFF;
	(pc) =	sbr.rel @p0 .LBB2_1-.Ltmp1, $4  }
0x36: {  	[hbm:s8], [sflag:s12] =	dma.local [spmem:s13], $0x2800  }
0x37: {  	_ =	swait.ge [sflag:s10], $0x2800  }
0x38: {  	[sflag:s10] =	ssyncset.done $0x0  }
0x39: {  	[sflag:s10] =	ssyncadd.s32 $0xFFFFD800  }
0x3a: {  	_ =	sfence.sel $0x180000  }
0x3b: {  	[bflag:$0x0] =	sbarrier.arrive $0xFFFF  }
0x3c: {  	p0 =	sne.s32 s0, $0x0;
	_ =	strace $0x9000004A  }
0x3d: {  	s0 =	sadd.s32 @!p0 $0x100000, s1;
	[bflag:$0x2] =	sbarrier.arrive $0xFFFF  }
0x3e: {  	[sflag:s0] =	ssyncadd.tile.s32 @!p0 $0x1;
	_ =	shalt  }
.Lfunc_end2:
_tile_overlayer_lowered:
.L_overlay_start_2:
0x3f: {  	(tag) =	ssettag $0x2  }
0x40: {  	s0 =	rddreg [dreg:$0x0];
	s2 =	stileid.u32  }
0x41: {  	s1 =	rddreg [dreg:$0x1];
	p0 =	sne.s32 s2, $0x0  }
0x42: {  	s3 =	rddreg [dreg:$0x2];
	[bflag:$0x3] =	sbarrier.arrive $0xFFFF;
	s2 =	simm.s32 @!p0 $0x1C02  }
0x43: {  	[timem:s3], [sflag:s2] =	dma.local @!p0 [hbm:s0], s1  }
0x44: {  	s0 =	simm.s32 @!p0 $0x2  }
0x45: {  	_ =	swait.ge @!p0 [sflag:s0], s1  }
0x46: {  	s1 =	ssub.s32 @!p0 $0x0, s1;
	[sflag:s0] =	ssyncset.done @!p0 $0x0  }
0x47: {  	[sflag:s0] =	ssyncadd.s32 @!p0 s1  }
0x48: {  	[bflag:$0x3] =	sbarrier.arrive $0xFFFF  }
0x49: {  	_ =	shalt  }

// kernel: kernel.17.cloned.1.call-start
scs
__scs_entry_jumppad:
0x0: {  	(pc) =	sbr.rel $0x88, $3  }
0x1: {  	(tag) =	ssettag $0x0;
	lr =	simm.s32 $0x1  }
0x2: {  	[smem:$0x3F95] =	sst lr;
	_ =	strace $0xD0000000  }
0x3: {  	_ = 	snop  }
0x4: {  	_ = 	snop  }
0x5: {  	_ = 	snop  }
0x6: {  	_ = 	snop  }
0x7: {  	_ = 	snop  }
__scs_overlays_trampoline_lowered:
0x8: {  	[smem:$0x3FA4] =	sst s0  }
0x9: {  	[smem:$0x3FA5] =	sst s1  }
0xa: {  	[smem:$0x3FA6] =	sst s2  }
0xb: {  	[smem:$0x3FA7] =	sst s3  }
0xc: {  	[smem:$0x3FA8] =	sst s4  }
0xd: {  	[smem:$0x3FA9] =	sst s5  }
0xe: {  	[smem:$0x3FAA] =	sst s6  }
0xf: {  	[smem:$0x3FAB] =	sst s7  }
0x10: {  	[smem:$0x3FAC] =	sst s8  }
0x11: {  	[smem:$0x3FAD] =	sst s9;
	s0 =	simm.s32 @!p0 $0x0  }
0x12: {  	s1 =	sld [smem:$0x3F93];
	s0 =	simm.s32 @p0 $0x1  }
0x13: {  	[smem:$0x3FAE] =	sst s0;
	s0 =	simm.s32 @!p1 $0x0  }
0x14: {  	s2 =	sld [smem:$0x3F92];
	s0 =	simm.s32 @p1 $0x1  }
0x15: {  	[smem:$0x3FAF] =	sst s0;
	s0 =	simm.s32 @!p2 $0x0  }
0x16: {  	s3 =	sld [smem:$0x3FDB];
	s0 =	simm.s32 @p2 $0x1  }
0x17: {  	s4 =	simm.s32 $0x1BF5;
	[smem:$0x3FB1] =	sst s0  }
0x18: {  	s0 =	sld [smem:$0x3F94];
	_ =	swait.ge [sflag:s4], $0x0  }
0x19: {  	s7 =	sld [smem:$0x3F95]  }
0x1a: {  	s8 =	sadd.s32 $0xFFFFE003, lr  }
0x1b: {  	s9 =	sadd.s32 $0xFFFFFEF7, lr;
	s5 =	simm.s32 $0xFFFFFFFF;
	p2 =	slt.u32 s8, $0xFFFFF086  }
0x1c: {  	p1 =	slt.u32 s9, $0xF7A;
	s5 =	simm.s32 @!p2 $0x0  }
0x1d: {  	s5 =	simm.s32 @p1 $0x1;
	p0 =	seq.s32 s7, s2  }
0x1e: {  	s7 =	smul.u32 @!p0 $0xF7A, s2;
	p2 =	seq.s32 @!p0 s5, $0x0  }
0x1f: {  	s9 =	smul.u32 $0xF7A, s1;
	s8 =	simm.s32 @!p0 $0x1BF5;
	p2 =	por !p2, p0  }
0x20: {  	[sflag:s8] =	ssyncset.s32 @!p0 $0xFFFFF086;
	s6 =	sadd.s32 @!p0 s3, s7;
	s7 =	simm.s32 @!p0 $0x108  }
0x21: {  	s3 =	sadd.s32 s3, s9;
	s6 =	sadd.s32 @!p0 $0x88, s6;
	s7 =	simm.s32 @p2 $0x1082  }
0x22: {  	[simem:s7], [sflag:s8] =	dma.local @!p0 [hbm:s6], $0xF7A  }
0x23: {  	s9 =	sor.u32 $0xD0000000, s2;
	s6 =	simm.s32 $0x108;
	_ =	swait.ge @!p0 [sflag:s8], $0x0  }
0x24: {  	s3 =	sadd.s32 $0x88, s3;
	s6 =	simm.s32 @!p1 $0x1082;
	[sflag:s4] =	ssyncset.s32 $0xFFFFF086  }
0x25: {  	[simem:s6], [sflag:s4] =	dma.local [hbm:s3], $0xF7A  }
0x26: {  	[smem:$0x3F95] =	sst s1;
	(tag) =	ssettag s2;
	_ =	strace s9  }
0x27: {  	s1 =	sld [smem:$0x3FA5]  }
0x28: {  	s2 =	sld [smem:$0x3FA6]  }
0x29: {  	s4 =	sld [smem:$0x3FA8]  }
0x2a: {  	p0 =	seq.s32 s5, $0x0;
	s5 =	sld [smem:$0x3FA9]  }
0x2b: {  	s6 =	sld [smem:$0x3FAA]  }
0x2c: {  	s7 =	sld [smem:$0x3FAB]  }
0x2d: {  	s3 =	simm.s32 $0x108;
	s8 =	sld [smem:$0x3FAC]  }
0x2e: {  	s3 =	simm.s32 @!p0 $0x1082;
	s9 =	sld [smem:$0x3FAD]  }
0x2f: {  	lr =	sadd.s32 s0, s3;
	s0 =	sld [smem:$0x3FA4]  }
0x30: {  	s3 =	sld [smem:$0x3FA7]  }
0x31: {  	[smem:$0x3FB0] =	sst s10  }
0x32: {  	s10 =	sld [smem:$0x3FAE];
	_ =	sdelay $0x3  }
0x33: {  	p0 =	seq.s32 s10, $0x1;
	s10 =	sld [smem:$0x3FB0];
	_ =	sdelay $0x3  }
0x34: {  	[smem:$0x3FB0] =	sst s10  }
0x35: {  	s10 =	sld [smem:$0x3FAF];
	_ =	sdelay $0x3  }
0x36: {  	p1 =	seq.s32 s10, $0x1;
	s10 =	sld [smem:$0x3FB0];
	_ =	sdelay $0x3  }
0x37: {  	[smem:$0x3FB0] =	sst s10  }
0x38: {  	s10 =	sld [smem:$0x3FB1]  }
0x39: {  	_ = 	snop;
	(pc) =	sbr.ind lr, $3  }
0x3a: {  	_ = 	snop  }
0x3b: {  	_ = 	snop  }
0x3c: {  	p2 =	seq.s32 s10, $0x1;
	s10 =	sld [smem:$0x3FB0]  }
0x3d: {  	_ =	shalt  }
0x3e: {  	_ =	shalt  }
0x3f: {  	_ =	shalt  }
0x40: {  	_ =	shalt  }
0x41: {  	_ =	shalt  }
0x42: {  	_ =	shalt  }
0x43: {  	_ =	shalt  }
0x44: {  	_ =	shalt  }
0x45: {  	_ =	shalt  }
0x46: {  	_ =	shalt  }
0x47: {  	_ =	shalt  }
0x48: {  	_ =	shalt  }
0x49: {  	_ =	shalt  }
0x4a: {  	_ =	shalt  }
0x4b: {  	_ =	shalt  }
0x4c: {  	_ =	shalt  }
0x4d: {  	_ =	shalt  }
0x4e: {  	_ =	shalt  }
0x4f: {  	_ =	shalt  }
0x50: {  	_ =	shalt  }
0x51: {  	_ =	shalt  }
0x52: {  	_ =	shalt  }
0x53: {  	_ =	shalt  }
0x54: {  	_ =	shalt  }
0x55: {  	_ =	shalt  }
0x56: {  	_ =	shalt  }
0x57: {  	_ =	shalt  }
0x58: {  	_ =	shalt  }
0x59: {  	_ =	shalt  }
0x5a: {  	_ =	shalt  }
0x5b: {  	_ =	shalt  }
0x5c: {  	_ =	shalt  }
0x5d: {  	_ =	shalt  }
0x5e: {  	_ =	shalt  }
0x5f: {  	_ =	shalt  }
0x60: {  	_ =	shalt  }
0x61: {  	_ =	shalt  }
0x62: {  	_ =	shalt  }
0x63: {  	_ =	shalt  }
0x64: {  	_ =	shalt  }
0x65: {  	_ =	shalt  }
0x66: {  	_ =	shalt  }
0x67: {  	_ =	shalt  }
0x68: {  	_ =	shalt  }
0x69: {  	_ =	shalt  }
0x6a: {  	_ =	shalt  }
0x6b: {  	_ =	shalt  }
0x6c: {  	_ =	shalt  }
0x6d: {  	_ =	shalt  }
0x6e: {  	_ =	shalt  }
0x6f: {  	_ =	shalt  }
0x70: {  	_ =	shalt  }
0x71: {  	_ =	shalt  }
0x72: {  	_ =	shalt  }
0x73: {  	_ =	shalt  }
0x74: {  	_ =	shalt  }
0x75: {  	_ =	shalt  }
0x76: {  	_ =	shalt  }
0x77: {  	_ =	shalt  }
0x78: {  	_ =	shalt  }
0x79: {  	_ =	shalt  }
0x7a: {  	_ =	shalt  }
0x7b: {  	_ =	shalt  }
0x7c: {  	_ =	shalt  }
0x7d: {  	_ =	shalt  }
0x7e: {  	_ =	shalt  }
0x7f: {  	_ =	shalt  }
0x80: {  	_ =	shalt  }
0x81: {  	_ =	shalt  }
0x82: {  	_ =	shalt  }
0x83: {  	_ =	shalt  }
0x84: {  	_ =	shalt  }
0x85: {  	_ =	shalt  }
0x86: {  	_ =	shalt  }
0x87: {  	_ =	shalt  }
.Lfunc_end0:
.L_simem_size_0:
called_computation.2_lowered:
.L_overlay_start_0:
0x88: {  	s2 =	sld [smem:$0x3FD9]  }
0x89: {  	s3 =	sld [smem:$0x3FFE];
	_ =	sdelay $0x1  }
0x8a: {  	s1 =	srdreg.scid  }
0x8b: {  	s0 =	sand.u32 $0x1, s1  }
0x8c: {  	s17 =	sshll.u32 s0, $0xA;
	s2 =	sadd.s32 s3, s2  }
0x8d: {  	s2 =	sadd.s32 s2, s17  }
0x8e: {  	[smem:$0x3FBC] =	sst s2  }
0x8f: {  	_ = 	snop  }
0x90: {  	s2 =	sld [smem:$0x3FD0];
	(tm) =	ssettm $0x1  }
0x91: {  	s18 =	sld [smem:$0x3FFB];
	_ =	sdelay $0x3  }
0x92: {  	_ =	strace s18  }
0x93: {  	s3 =	sld [smem:$0x3FFC];
	_ =	sdelay $0x3  }
0x94: {  	_ =	strace s3  }
0x95: {  	s3 =	sld [smem:$0x3FFD];
	_ =	sdelay $0x3  }
0x96: {  	_ =	strace s3  }
0x97: {  	_ =	strace $0x8FFFFFFF  }
0x98: {  	s19 =	sld [smem:$0x3FDB];
	_ =	sdelay $0x1  }
0x99: {  	s4 =	simm.s32 $_scs_section_size  }
0x9a: {  	s5 =	simm.s32 $_size__tile_overlayer_lowered;
	s6 =	simm.s32 $_tile_overlayer_lowered  }
0x9b: {  	s22 =	simm.s32 $0x1BFF;
	s21 =	sshll.u32 s6, $0x1;
	s3 =	sadd.s32 s4, s19  }
0x9c: {  	s7 =	simm.s32 $0x0;
	s20 =	sshll.u32 s5, $0x1;
	s5 =	sadd.s32 s21, s3  }
0x9d: {  	[timem:s7], [sflag:s22] =	dma.local [hbm:s5], s20  }
0x9e: {  	_ =	swait.ge [sflag:s22], s20  }
0x9f: {  	s4 =	ssub.s32 $0x0, s20;
	[sflag:s22] =	ssyncset.done $0x0  }
0xa0: {  	[sflag:s22] =	ssyncadd.s32 s4;
	_ =	sdelay $0x1  }
0xa1: {  	s23 =	simm.s32 $0x1B8B  }
0xa2: {  	_ =	swait.ge [sflag:s23], $0x1  }
0xa3: {  	[sflag:s23] =	ssyncset.done $0x0  }
0xa4: {  	s25 =	simm.s32 $0x1B8E;
	s24 =	sld [smem:$0x3FFE];
	[sflag:s23] =	ssyncadd.s32 $0xFFFFFFFF  }
0xa5: {  	s26 =	simm.s32 $execute0_lowered;
	[smem:$0x3FD2] =	sst s25  }
0xa6: {  	s5 =	sshll.u32 s26, $0x1;
	_ =	strace $0x8000004C;
	[dreg:$0x1] =	wrdreg $0xFFFFFFFF  }
0xa7: {  	s28 =	simm.s32 $_size_execute0_lowered;
	s3 =	sadd.s32 s3, s5;
	[dreg:$0x0] =	wrdreg $0x0  }
0xa8: {  	s5 =	sshll.u32 s28, $0x1;
	[dreg:$0x2] =	wrdreg s3  }
0xa9: {  	[dreg:$0x3] =	wrdreg s5  }
0xaa: {  	[dreg:$0x4] =	wrdreg $0xC0  }
0xab: {  	_ =	task [dreg:s7], $0x5FFFF  }
0xac: {  	[dreg:$0x1] =	wrdreg $0xFFFFFFFF  }
0xad: {  	[dreg:$0x0] =	wrdreg $0x60  }
0xae: {  	[dreg:$0x2] =	wrdreg s24  }
0xaf: {  	[dreg:$0x3] =	wrdreg s2  }
0xb0: {  	[dreg:$0x4] =	wrdreg $0x90000  }
0xb1: {  	[dreg:$0x5] =	wrdreg $0x9  }
0xb2: {  	_ =	task.clear_ibuf [dreg:s7], $0x6FFFF;
	_ =	strace $0x9000004C  }
0xb3: {  	s29 =	simm.s32 $0x9;
	_ =	strace $0x8000004E  }
0xb4: {  	_ =	swait.ge [sflag:s29], $0x1  }
0xb5: {  	[sflag:s29] =	ssyncadd.s32 $0xFFFFFFFF  }
0xb6: {  	_ =	strace $0x9000004E  }
0xb7: {  	_ =	sfence  }
0xb8: {  	s30 =	sld [smem:$0x0];
	_ =	sdelay $0x2  }
0xb9: {  	s31 =	sshll.u32 s1, $0xD;
	s1 =	sshrl.u32 s1, $0x2  }
0xba: {  	s3 =	sand.u32 $0x4000, s31;
	s1 =	sadd.s32 s1, s30  }
0xbb: {  	s0 =	sor.u32 s3, s0;
	s1 =	sshll.u32 s1, $0x11  }
0xbc: {  	s0 =	sor.u32 s1, s0  }
0xbd: {  	s0 =	sadd.s32 $0x8F2B, s0  }
0xbe: {  	[sflag:s0] =	ssyncadd.remote.s32 $0x1  }
0xbf: {  	_ =	sfence.sel $0xFFFF  }
0xc0: {  	[dreg:$0x0] =	wrdreg $0xFFFFFFFF;
	(pc) =	sbr.abs _section_cstart, $3  }
0xc1: {  	[dreg:$0x1] =	wrdreg $0xFFFFFFFF  }
0xc2: {  	_ =	task.clear_ibuf [dreg:s7], $0x2FFFF;
	_ =	strace $0x9FFFFFFF  }
0xc3: {  	(tm) =	ssettm $0x7FFFFFFF  }
tec
execute0_lowered:
.L_overlay_start_1:
0x0: {  	(tag) =	ssettag $0x1  }
0x1: {  	s6 =	rddreg [dreg:$0x0]  }
0x2: {  	s0 =	srdreg.scid;
	s2 =	rddreg [dreg:$0x1]  }
0x3: {  	s3 =	rddreg [dreg:$0x2];
	s4 =	simm.s32 $0x0;
	s14 =	simm.s32 $0x7D  }
0x4: {  	s15 =	simm.s32 $0x5000;
	s16 =	simm.s32 $0x1;
	s5 =	sand.u32 $0x1, s0  }
0x5: {  	s17 =	simm.s32 $0x0;
	s0 =	stileid.u32;
	s8 =	smul.u32 $0x140000, s5  }
0x6: {  	[smem:$0x7FF] =	sst s4;
	s1 =	sshll.u32 s5, $0x4;
	s9 =	smul.u32 $0x14000, s0  }
0x7: {  	s30 =	ssub.s32 $0x2, s5;
	s11 =	smul.u32 $0x50000, s0;
	s5 =	sadd.s32 $0x17800, s6  }
0x8: {  	s12 =	sshll.u32 s0, $0x6;
	s1 =	sor.u32 s0, s1;
	s10 =	sshrl.u32 s30, $0x1  }
0x9: {  	s12 =	sor.u32 $0x1C02, s12;
	s7 =	smul.u32 $0x500, s1;
	s1 =	rddreg [dreg:$0x3]  }
0xa: {  	_ =	strace $0x8000004D;
	s8 =	sadd.s32 s9, s8;
	s9 =	ssub.s32 s30, s10  }
0xb: {  	s31 =	sshrl.u32 s11, $0x2;
	s10 =	simm.s32 $0x2;
	s11 =	simm.s32 $0x2800  }
0xc: {  	s8 =	sshrl.u32 s8, $0x3;
	s13 =	sadd.s32 s31, s3;
	s9 =	smax.u32 s9, $0x1  }
0xd: {  	s7 =	sadd.s32 s7, s6;
	s8 =	sadd.s32 s8, s6;
	s13 =	sshrl.u32 s13, $0x3  }
0xe: {  	s6 =	sadd.s32 $0xD800, s7;
	s7 =	sadd.s32 $0x3400, s7;
	s8 =	sadd.s32 $0x1A000, s8  }
.LBB2_1:
0xf: {  	[tilespmem:s4], [sflag:$0x2] =	stream.linear.gather [hbm4b:s6+s4], $0x2800, $0x38;
	[tilespmem:$0x1D000] =	vst v63  }
0x10: {  	_ =	swait.ge [sflag:s10], $0x2800  }
0x11: {  	[sflag:s10] =	ssyncset.done $0x0  }
0x12: {  	[sflag:s10] =	ssyncadd.s32 $0xFFFFD800  }
0x13: {  	[tilespmem:s11], [sflag:$0x2] =	stream.linear.gather [hbm4b:s7+s4], $0x2800, $0x38;
	[tilespmem:$0x1D000] =	vst v63  }
0x14: {  	_ =	swait.ge [sflag:s10], $0x2800  }
0x15: {  	[sflag:s10] =	ssyncset.done $0x0  }
0x16: {  	[sflag:s10] =	ssyncadd.s32 $0xFFFFD800  }
0x17: {  	[spmem:s13], [sflag:s12] =	dma.local [hbm:s5], $0x2800  }
0x18: {  	_ =	swait.ge [sflag:s10], $0x2800  }
0x19: {  	[sflag:s10] =	ssyncset.done $0x0  }
0x1a: {  	[sflag:s10] =	ssyncadd.s32 $0xFFFFD800  }
0x1b: {  	s18 =	simm.s32 $0x0;
	[bflag:$0x0] =	sbarrier.arrive $0xFFFF  }
0x1c: {  	[tilespmem:s15], [sflag:$0x1] =	stream.indirect.gather [hbm4b:s2+s14], $0x80, s18, s14, $0xb8;
	[tilespmem:$0x1D000] =	vst v63  }
0x1d: {  	_ =	swait.ge [sflag:s16], $0x3E80  }
0x1e: {  	[sflag:s16] =	ssyncset.done $0x0  }
0x1f: {  	s31 =	simm.s32 $0x2800;
	[sflag:s16] =	ssyncadd.s32 $0xFFFFC180  }
0x20: {  	[spmem:s3] =	stream.indirect.scatter.add.f32 [tilespmem:s15], [sflag:$0x2], $0x80, s31, s14, $0xb8;
	[tilespmem:$0x1D000] =	vst v63  }
0x21: {  	_ =	swait.ge [sflag:s10], $0x3E80  }
0x22: {  	s19 =	simm.s32 $0x400;
	s18 =	simm.s32 $0x200;
	[sflag:s10] =	ssyncset.done $0x0  }
.LBB2_2:
0x23: {  	s20 =	sshra.s32 s18, $0x2  }
0x24: {  	[sflag:s10] =	ssyncadd.s32 $0xFFFFC180;
	s18 =	smov.u32 s19;
	s21 =	sadd.s32 $0x200, s19  }
0x25: {  	[tilespmem:s15], [sflag:$0x1] =	stream.indirect.gather [hbm4b:s2+s14], $0x80, s20, s14, $0xb8;
	[tilespmem:$0x1D000] =	vst v63  }
0x26: {  	p0 =	sne.s32 s19, $0x9E00;
	_ =	swait.ge [sflag:s16], $0x3E80  }
.Ltmp0:
0x27: {  	[sflag:s16] =	ssyncset.done $0x0;
	(pc) =	sbr.rel @p0 .LBB2_2-.Ltmp0, $4  }
0x28: {  	s19 =	sadd.s32 $0x2800, s20;
	[sflag:s16] =	ssyncadd.s32 $0xFFFFC180  }
0x29: {  	[spmem:s3] =	stream.indirect.scatter.add.f32 [tilespmem:s15], [sflag:$0x2], $0x80, s19, s14, $0xb8;
	[tilespmem:$0x1D000] =	vst v63  }
0x2a: {  	_ =	swait.ge [sflag:s10], $0x3E80  }
0x2b: {  	s19 =	smov.u32 s21;
	[sflag:s10] =	ssyncset.done $0x0  }
0x2c: {  	s18 =	sshra.s32 s18, $0x2;
	[sflag:s10] =	ssyncadd.s32 $0xFFFFC180  }
0x2d: {  	[tilespmem:s15], [sflag:$0x1] =	stream.indirect.gather [hbm4b:s2+s14], $0x80, s18, s14, $0xb8;
	[tilespmem:$0x1D000] =	vst v63  }
0x2e: {  	_ =	swait.ge [sflag:s16], $0x3E80  }
0x2f: {  	[sflag:s16] =	ssyncset.done $0x0  }
0x30: {  	s18 =	sadd.s32 $0x2800, s18;
	[sflag:s16] =	ssyncadd.s32 $0xFFFFC180  }
0x31: {  	[spmem:s3] =	stream.indirect.scatter.add.f32 [tilespmem:s15], [sflag:$0x2], $0x80, s18, s14, $0xb8;
	[tilespmem:$0x1D000] =	vst v63  }
0x32: {  	_ =	swait.ge [sflag:s10], $0x3E80  }
0x33: {  	s17 =	sadd.s32 $0x1, s17;
	[sflag:s10] =	ssyncset.done $0x0  }
0x34: {  	p0 =	sne.s32 s17, s9;
	[sflag:s10] =	ssyncadd.s32 $0xFFFFC180  }
.Ltmp1:
0x35: {  	[bflag:$0x0] =	sbarrier.arrive $0xFFFF;
	(pc) =	sbr.rel @p0 .LBB2_1-.Ltmp1, $4  }
0x36: {  	[hbm:s8], [sflag:s12] =	dma.local [spmem:s13], $0x2800  }
0x37: {  	_ =	swait.ge [sflag:s10], $0x2800  }
0x38: {  	[sflag:s10] =	ssyncset.done $0x0  }
0x39: {  	[sflag:s10] =	ssyncadd.s32 $0xFFFFD800  }
0x3a: {  	_ =	sfence.sel $0x180000  }
0x3b: {  	[bflag:$0x0] =	sbarrier.arrive $0xFFFF  }
0x3c: {  	p0 =	sne.s32 s0, $0x0;
	_ =	strace $0x9000004D  }
0x3d: {  	s0 =	sadd.s32 @!p0 $0x100000, s1;
	[bflag:$0x2] =	sbarrier.arrive $0xFFFF  }
0x3e: {  	[sflag:s0] =	ssyncadd.tile.s32 @!p0 $0x1;
	_ =	shalt  }
.Lfunc_end2:
_tile_overlayer_lowered:
.L_overlay_start_2:
0x3f: {  	(tag) =	ssettag $0x2  }
0x40: {  	s0 =	rddreg [dreg:$0x0];
	s2 =	stileid.u32  }
0x41: {  	s1 =	rddreg [dreg:$0x1];
	p0 =	sne.s32 s2, $0x0  }
0x42: {  	s3 =	rddreg [dreg:$0x2];
	[bflag:$0x3] =	sbarrier.arrive $0xFFFF;
	s2 =	simm.s32 @!p0 $0x1C02  }
0x43: {  	[timem:s3], [sflag:s2] =	dma.local @!p0 [hbm:s0], s1  }
0x44: {  	s0 =	simm.s32 @!p0 $0x2  }
0x45: {  	_ =	swait.ge @!p0 [sflag:s0], s1  }
0x46: {  	s1 =	ssub.s32 @!p0 $0x0, s1;
	[sflag:s0] =	ssyncset.done @!p0 $0x0  }
0x47: {  	[sflag:s0] =	ssyncadd.s32 @!p0 s1  }
0x48: {  	[bflag:$0x3] =	sbarrier.arrive $0xFFFF  }
0x49: {  	_ =	shalt  }

// kernel: kernel.20.cloned.1.call-start
scs
__scs_entry_jumppad:
0x0: {  	(pc) =	sbr.rel $0x88, $3  }
0x1: {  	(tag) =	ssettag $0x0;
	lr =	simm.s32 $0x1  }
0x2: {  	[smem:$0x3F95] =	sst lr;
	_ =	strace $0xD0000000  }
0x3: {  	_ = 	snop  }
0x4: {  	_ = 	snop  }
0x5: {  	_ = 	snop  }
0x6: {  	_ = 	snop  }
0x7: {  	_ = 	snop  }
__scs_overlays_trampoline_lowered:
0x8: {  	[smem:$0x3FA4] =	sst s0  }
0x9: {  	[smem:$0x3FA5] =	sst s1  }
0xa: {  	[smem:$0x3FA6] =	sst s2  }
0xb: {  	[smem:$0x3FA7] =	sst s3  }
0xc: {  	[smem:$0x3FA8] =	sst s4  }
0xd: {  	[smem:$0x3FA9] =	sst s5  }
0xe: {  	[smem:$0x3FAA] =	sst s6  }
0xf: {  	[smem:$0x3FAB] =	sst s7  }
0x10: {  	[smem:$0x3FAC] =	sst s8  }
0x11: {  	[smem:$0x3FAD] =	sst s9;
	s0 =	simm.s32 @!p0 $0x0  }
0x12: {  	s1 =	sld [smem:$0x3F93];
	s0 =	simm.s32 @p0 $0x1  }
0x13: {  	[smem:$0x3FAE] =	sst s0;
	s0 =	simm.s32 @!p1 $0x0  }
0x14: {  	s2 =	sld [smem:$0x3F92];
	s0 =	simm.s32 @p1 $0x1  }
0x15: {  	[smem:$0x3FAF] =	sst s0;
	s0 =	simm.s32 @!p2 $0x0  }
0x16: {  	s3 =	sld [smem:$0x3FDB];
	s0 =	simm.s32 @p2 $0x1  }
0x17: {  	s4 =	simm.s32 $0x1BF5;
	[smem:$0x3FB1] =	sst s0  }
0x18: {  	s0 =	sld [smem:$0x3F94];
	_ =	swait.ge [sflag:s4], $0x0  }
0x19: {  	s7 =	sld [smem:$0x3F95]  }
0x1a: {  	s8 =	sadd.s32 $0xFFFFE003, lr  }
0x1b: {  	s9 =	sadd.s32 $0xFFFFFEF7, lr;
	s5 =	simm.s32 $0xFFFFFFFF;
	p2 =	slt.u32 s8, $0xFFFFF086  }
0x1c: {  	p1 =	slt.u32 s9, $0xF7A;
	s5 =	simm.s32 @!p2 $0x0  }
0x1d: {  	s5 =	simm.s32 @p1 $0x1;
	p0 =	seq.s32 s7, s2  }
0x1e: {  	s7 =	smul.u32 @!p0 $0xF7A, s2;
	p2 =	seq.s32 @!p0 s5, $0x0  }
0x1f: {  	s9 =	smul.u32 $0xF7A, s1;
	s8 =	simm.s32 @!p0 $0x1BF5;
	p2 =	por !p2, p0  }
0x20: {  	[sflag:s8] =	ssyncset.s32 @!p0 $0xFFFFF086;
	s6 =	sadd.s32 @!p0 s3, s7;
	s7 =	simm.s32 @!p0 $0x108  }
0x21: {  	s3 =	sadd.s32 s3, s9;
	s6 =	sadd.s32 @!p0 $0x88, s6;
	s7 =	simm.s32 @p2 $0x1082  }
0x22: {  	[simem:s7], [sflag:s8] =	dma.local @!p0 [hbm:s6], $0xF7A  }
0x23: {  	s9 =	sor.u32 $0xD0000000, s2;
	s6 =	simm.s32 $0x108;
	_ =	swait.ge @!p0 [sflag:s8], $0x0  }
0x24: {  	s3 =	sadd.s32 $0x88, s3;
	s6 =	simm.s32 @!p1 $0x1082;
	[sflag:s4] =	ssyncset.s32 $0xFFFFF086  }
0x25: {  	[simem:s6], [sflag:s4] =	dma.local [hbm:s3], $0xF7A  }
0x26: {  	[smem:$0x3F95] =	sst s1;
	(tag) =	ssettag s2;
	_ =	strace s9  }
0x27: {  	s1 =	sld [smem:$0x3FA5]  }
0x28: {  	s2 =	sld [smem:$0x3FA6]  }
0x29: {  	s4 =	sld [smem:$0x3FA8]  }
0x2a: {  	p0 =	seq.s32 s5, $0x0;
	s5 =	sld [smem:$0x3FA9]  }
0x2b: {  	s6 =	sld [smem:$0x3FAA]  }
0x2c: {  	s7 =	sld [smem:$0x3FAB]  }
0x2d: {  	s3 =	simm.s32 $0x108;
	s8 =	sld [smem:$0x3FAC]  }
0x2e: {  	s3 =	simm.s32 @!p0 $0x1082;
	s9 =	sld [smem:$0x3FAD]  }
0x2f: {  	lr =	sadd.s32 s0, s3;
	s0 =	sld [smem:$0x3FA4]  }
0x30: {  	s3 =	sld [smem:$0x3FA7]  }
0x31: {  	[smem:$0x3FB0] =	sst s10  }
0x32: {  	s10 =	sld [smem:$0x3FAE];
	_ =	sdelay $0x3  }
0x33: {  	p0 =	seq.s32 s10, $0x1;
	s10 =	sld [smem:$0x3FB0];
	_ =	sdelay $0x3  }
0x34: {  	[smem:$0x3FB0] =	sst s10  }
0x35: {  	s10 =	sld [smem:$0x3FAF];
	_ =	sdelay $0x3  }
0x36: {  	p1 =	seq.s32 s10, $0x1;
	s10 =	sld [smem:$0x3FB0];
	_ =	sdelay $0x3  }
0x37: {  	[smem:$0x3FB0] =	sst s10  }
0x38: {  	s10 =	sld [smem:$0x3FB1]  }
0x39: {  	_ = 	snop;
	(pc) =	sbr.ind lr, $3  }
0x3a: {  	_ = 	snop  }
0x3b: {  	_ = 	snop  }
0x3c: {  	p2 =	seq.s32 s10, $0x1;
	s10 =	sld [smem:$0x3FB0]  }
0x3d: {  	_ =	shalt  }
0x3e: {  	_ =	shalt  }
0x3f: {  	_ =	shalt  }
0x40: {  	_ =	shalt  }
0x41: {  	_ =	shalt  }
0x42: {  	_ =	shalt  }
0x43: {  	_ =	shalt  }
0x44: {  	_ =	shalt  }
0x45: {  	_ =	shalt  }
0x46: {  	_ =	shalt  }
0x47: {  	_ =	shalt  }
0x48: {  	_ =	shalt  }
0x49: {  	_ =	shalt  }
0x4a: {  	_ =	shalt  }
0x4b: {  	_ =	shalt  }
0x4c: {  	_ =	shalt  }
0x4d: {  	_ =	shalt  }
0x4e: {  	_ =	shalt  }
0x4f: {  	_ =	shalt  }
0x50: {  	_ =	shalt  }
0x51: {  	_ =	shalt  }
0x52: {  	_ =	shalt  }
0x53: {  	_ =	shalt  }
0x54: {  	_ =	shalt  }
0x55: {  	_ =	shalt  }
0x56: {  	_ =	shalt  }
0x57: {  	_ =	shalt  }
0x58: {  	_ =	shalt  }
0x59: {  	_ =	shalt  }
0x5a: {  	_ =	shalt  }
0x5b: {  	_ =	shalt  }
0x5c: {  	_ =	shalt  }
0x5d: {  	_ =	shalt  }
0x5e: {  	_ =	shalt  }
0x5f: {  	_ =	shalt  }
0x60: {  	_ =	shalt  }
0x61: {  	_ =	shalt  }
0x62: {  	_ =	shalt  }
0x63: {  	_ =	shalt  }
0x64: {  	_ =	shalt  }
0x65: {  	_ =	shalt  }
0x66: {  	_ =	shalt  }
0x67: {  	_ =	shalt  }
0x68: {  	_ =	shalt  }
0x69: {  	_ =	shalt  }
0x6a: {  	_ =	shalt  }
0x6b: {  	_ =	shalt  }
0x6c: {  	_ =	shalt  }
0x6d: {  	_ =	shalt  }
0x6e: {  	_ =	shalt  }
0x6f: {  	_ =	shalt  }
0x70: {  	_ =	shalt  }
0x71: {  	_ =	shalt  }
0x72: {  	_ =	shalt  }
0x73: {  	_ =	shalt  }
0x74: {  	_ =	shalt  }
0x75: {  	_ =	shalt  }
0x76: {  	_ =	shalt  }
0x77: {  	_ =	shalt  }
0x78: {  	_ =	shalt  }
0x79: {  	_ =	shalt  }
0x7a: {  	_ =	shalt  }
0x7b: {  	_ =	shalt  }
0x7c: {  	_ =	shalt  }
0x7d: {  	_ =	shalt  }
0x7e: {  	_ =	shalt  }
0x7f: {  	_ =	shalt  }
0x80: {  	_ =	shalt  }
0x81: {  	_ =	shalt  }
0x82: {  	_ =	shalt  }
0x83: {  	_ =	shalt  }
0x84: {  	_ =	shalt  }
0x85: {  	_ =	shalt  }
0x86: {  	_ =	shalt  }
0x87: {  	_ =	shalt  }
.Lfunc_end0:
.L_simem_size_0:
called_computation.3_lowered:
.L_overlay_start_0:
0x88: {  	s2 =	sld [smem:$0x3FD9]  }
0x89: {  	s3 =	sld [smem:$0x3FFE];
	_ =	sdelay $0x1  }
0x8a: {  	s1 =	srdreg.scid  }
0x8b: {  	s0 =	sand.u32 $0x1, s1  }
0x8c: {  	s17 =	sshll.u32 s0, $0xA;
	s2 =	sadd.s32 s3, s2  }
0x8d: {  	s2 =	sadd.s32 s2, s17  }
0x8e: {  	[smem:$0x3FBC] =	sst s2  }
0x8f: {  	_ = 	snop  }
0x90: {  	s2 =	sld [smem:$0x3FD0];
	(tm) =	ssettm $0x1  }
0x91: {  	s18 =	sld [smem:$0x3FFB];
	_ =	sdelay $0x3  }
0x92: {  	_ =	strace s18  }
0x93: {  	s3 =	sld [smem:$0x3FFC];
	_ =	sdelay $0x3  }
0x94: {  	_ =	strace s3  }
0x95: {  	s3 =	sld [smem:$0x3FFD];
	_ =	sdelay $0x3  }
0x96: {  	_ =	strace s3  }
0x97: {  	_ =	strace $0x8FFFFFFF  }
0x98: {  	s19 =	sld [smem:$0x3FDB];
	_ =	sdelay $0x1  }
0x99: {  	s4 =	simm.s32 $_scs_section_size  }
0x9a: {  	s5 =	simm.s32 $_size__tile_overlayer_lowered;
	s6 =	simm.s32 $_tile_overlayer_lowered  }
0x9b: {  	s22 =	simm.s32 $0x1BFF;
	s21 =	sshll.u32 s6, $0x1;
	s3 =	sadd.s32 s4, s19  }
0x9c: {  	s7 =	simm.s32 $0x0;
	s20 =	sshll.u32 s5, $0x1;
	s5 =	sadd.s32 s21, s3  }
0x9d: {  	[timem:s7], [sflag:s22] =	dma.local [hbm:s5], s20  }
0x9e: {  	_ =	swait.ge [sflag:s22], s20  }
0x9f: {  	s4 =	ssub.s32 $0x0, s20;
	[sflag:s22] =	ssyncset.done $0x0  }
0xa0: {  	[sflag:s22] =	ssyncadd.s32 s4;
	_ =	sdelay $0x1  }
0xa1: {  	s23 =	simm.s32 $0x1B8B  }
0xa2: {  	_ =	swait.ge [sflag:s23], $0x1  }
0xa3: {  	[sflag:s23] =	ssyncset.done $0x0  }
0xa4: {  	s25 =	simm.s32 $0x1B8E;
	s24 =	sld [smem:$0x3FFE];
	[sflag:s23] =	ssyncadd.s32 $0xFFFFFFFF  }
0xa5: {  	s26 =	simm.s32 $execute0_lowered;
	[smem:$0x3FD2] =	sst s25  }
0xa6: {  	s5 =	sshll.u32 s26, $0x1;
	_ =	strace $0x8000004F;
	[dreg:$0x1] =	wrdreg $0xFFFFFFFF  }
0xa7: {  	s28 =	simm.s32 $_size_execute0_lowered;
	s3 =	sadd.s32 s3, s5;
	[dreg:$0x0] =	wrdreg $0x0  }
0xa8: {  	s5 =	sshll.u32 s28, $0x1;
	[dreg:$0x2] =	wrdreg s3  }
0xa9: {  	[dreg:$0x3] =	wrdreg s5  }
0xaa: {  	[dreg:$0x4] =	wrdreg $0xC0  }
0xab: {  	_ =	task [dreg:s7], $0x5FFFF  }
0xac: {  	[dreg:$0x1] =	wrdreg $0xFFFFFFFF  }
0xad: {  	[dreg:$0x0] =	wrdreg $0x60  }
0xae: {  	[dreg:$0x2] =	wrdreg s24  }
0xaf: {  	[dreg:$0x3] =	wrdreg s2  }
0xb0: {  	[dreg:$0x4] =	wrdreg $0x90000  }
0xb1: {  	[dreg:$0x5] =	wrdreg $0x9  }
0xb2: {  	_ =	task.clear_ibuf [dreg:s7], $0x6FFFF;
	_ =	strace $0x9000004F  }
0xb3: {  	s29 =	simm.s32 $0x9;
	_ =	strace $0x80000051  }
0xb4: {  	_ =	swait.ge [sflag:s29], $0x1  }
0xb5: {  	[sflag:s29] =	ssyncadd.s32 $0xFFFFFFFF  }
0xb6: {  	_ =	strace $0x90000051  }
0xb7: {  	_ =	sfence  }
0xb8: {  	s30 =	sld [smem:$0x0];
	_ =	sdelay $0x2  }
0xb9: {  	s31 =	sshll.u32 s1, $0xD;
	s1 =	sshrl.u32 s1, $0x2  }
0xba: {  	s3 =	sand.u32 $0x4000, s31;
	s1 =	sadd.s32 s1, s30  }
0xbb: {  	s0 =	sor.u32 s3, s0;
	s1 =	sshll.u32 s1, $0x11  }
0xbc: {  	s0 =	sor.u32 s1, s0  }
0xbd: {  	s0 =	sadd.s32 $0x8F2B, s0  }
0xbe: {  	[sflag:s0] =	ssyncadd.remote.s32 $0x1  }
0xbf: {  	_ =	sfence.sel $0xFFFF  }
0xc0: {  	[dreg:$0x0] =	wrdreg $0xFFFFFFFF;
	(pc) =	sbr.abs _section_cstart, $3  }
0xc1: {  	[dreg:$0x1] =	wrdreg $0xFFFFFFFF  }
0xc2: {  	_ =	task.clear_ibuf [dreg:s7], $0x2FFFF;
	_ =	strace $0x9FFFFFFF  }
0xc3: {  	(tm) =	ssettm $0x7FFFFFFF  }
tec
execute0_lowered:
.L_overlay_start_1:
0x0: {  	(tag) =	ssettag $0x1  }
0x1: {  	s6 =	rddreg [dreg:$0x0]  }
0x2: {  	s0 =	srdreg.scid;
	s2 =	rddreg [dreg:$0x1]  }
0x3: {  	s3 =	rddreg [dreg:$0x2];
	s4 =	simm.s32 $0x0;
	s14 =	simm.s32 $0x7D  }
0x4: {  	s15 =	simm.s32 $0x5000;
	s16 =	simm.s32 $0x1;
	s5 =	sand.u32 $0x1, s0  }
0x5: {  	s17 =	simm.s32 $0x0;
	s0 =	stileid.u32;
	s8 =	smul.u32 $0x140000, s5  }
0x6: {  	[smem:$0x7FF] =	sst s4;
	s1 =	sshll.u32 s5, $0x4;
	s9 =	smul.u32 $0x14000, s0  }
0x7: {  	s30 =	ssub.s32 $0x2, s5;
	s11 =	smul.u32 $0x50000, s0;
	s5 =	sadd.s32 $0x17800, s6  }
0x8: {  	s12 =	sshll.u32 s0, $0x6;
	s1 =	sor.u32 s0, s1;
	s10 =	sshrl.u32 s30, $0x1  }
0x9: {  	s12 =	sor.u32 $0x1C02, s12;
	s7 =	smul.u32 $0x500, s1;
	s1 =	rddreg [dreg:$0x3]  }
0xa: {  	_ =	strace $0x80000050;
	s8 =	sadd.s32 s9, s8;
	s9 =	ssub.s32 s30, s10  }
0xb: {  	s31 =	sshrl.u32 s11, $0x2;
	s10 =	simm.s32 $0x2;
	s11 =	simm.s32 $0x2800  }
0xc: {  	s8 =	sshrl.u32 s8, $0x3;
	s13 =	sadd.s32 s31, s3;
	s9 =	smax.u32 s9, $0x1  }
0xd: {  	s7 =	sadd.s32 s7, s6;
	s8 =	sadd.s32 s8, s6;
	s13 =	sshrl.u32 s13, $0x3  }
0xe: {  	s6 =	sadd.s32 $0xD800, s7;
	s7 =	sadd.s32 $0x3400, s7;
	s8 =	sadd.s32 $0x1A000, s8  }
.LBB2_1:
0xf: {  	[tilespmem:s4], [sflag:$0x2] =	stream.linear.gather [hbm4b:s6+s4], $0x2800, $0x38;
	[tilespmem:$0x1D000] =	vst v63  }
0x10: {  	_ =	swait.ge [sflag:s10], $0x2800  }
0x11: {  	[sflag:s10] =	ssyncset.done $0x0  }
0x12: {  	[sflag:s10] =	ssyncadd.s32 $0xFFFFD800  }
0x13: {  	[tilespmem:s11], [sflag:$0x2] =	stream.linear.gather [hbm4b:s7+s4], $0x2800, $0x38;
	[tilespmem:$0x1D000] =	vst v63  }
0x14: {  	_ =	swait.ge [sflag:s10], $0x2800  }
0x15: {  	[sflag:s10] =	ssyncset.done $0x0  }
0x16: {  	[sflag:s10] =	ssyncadd.s32 $0xFFFFD800  }
0x17: {  	[spmem:s13], [sflag:s12] =	dma.local [hbm:s5], $0x2800  }
0x18: {  	_ =	swait.ge [sflag:s10], $0x2800  }
0x19: {  	[sflag:s10] =	ssyncset.done $0x0  }
0x1a: {  	[sflag:s10] =	ssyncadd.s32 $0xFFFFD800  }
0x1b: {  	s18 =	simm.s32 $0x0;
	[bflag:$0x0] =	sbarrier.arrive $0xFFFF  }
0x1c: {  	[tilespmem:s15], [sflag:$0x1] =	stream.indirect.gather [hbm4b:s2+s14], $0x80, s18, s14, $0xb8;
	[tilespmem:$0x1D000] =	vst v63  }
0x1d: {  	_ =	swait.ge [sflag:s16], $0x3E80  }
0x1e: {  	[sflag:s16] =	ssyncset.done $0x0  }
0x1f: {  	s31 =	simm.s32 $0x2800;
	[sflag:s16] =	ssyncadd.s32 $0xFFFFC180  }
0x20: {  	[spmem:s3] =	stream.indirect.scatter.add.f32 [tilespmem:s15], [sflag:$0x2], $0x80, s31, s14, $0xb8;
	[tilespmem:$0x1D000] =	vst v63  }
0x21: {  	_ =	swait.ge [sflag:s10], $0x3E80  }
0x22: {  	s19 =	simm.s32 $0x400;
	s18 =	simm.s32 $0x200;
	[sflag:s10] =	ssyncset.done $0x0  }
.LBB2_2:
0x23: {  	s20 =	sshra.s32 s18, $0x2  }
0x24: {  	[sflag:s10] =	ssyncadd.s32 $0xFFFFC180;
	s18 =	smov.u32 s19;
	s21 =	sadd.s32 $0x200, s19  }
0x25: {  	[tilespmem:s15], [sflag:$0x1] =	stream.indirect.gather [hbm4b:s2+s14], $0x80, s20, s14, $0xb8;
	[tilespmem:$0x1D000] =	vst v63  }
0x26: {  	p0 =	sne.s32 s19, $0x9E00;
	_ =	swait.ge [sflag:s16], $0x3E80  }
.Ltmp0:
0x27: {  	[sflag:s16] =	ssyncset.done $0x0;
	(pc) =	sbr.rel @p0 .LBB2_2-.Ltmp0, $4  }
0x28: {  	s19 =	sadd.s32 $0x2800, s20;
	[sflag:s16] =	ssyncadd.s32 $0xFFFFC180  }
0x29: {  	[spmem:s3] =	stream.indirect.scatter.add.f32 [tilespmem:s15], [sflag:$0x2], $0x80, s19, s14, $0xb8;
	[tilespmem:$0x1D000] =	vst v63  }
0x2a: {  	_ =	swait.ge [sflag:s10], $0x3E80  }
0x2b: {  	s19 =	smov.u32 s21;
	[sflag:s10] =	ssyncset.done $0x0  }
0x2c: {  	s18 =	sshra.s32 s18, $0x2;
	[sflag:s10] =	ssyncadd.s32 $0xFFFFC180  }
0x2d: {  	[tilespmem:s15], [sflag:$0x1] =	stream.indirect.gather [hbm4b:s2+s14], $0x80, s18, s14, $0xb8;
	[tilespmem:$0x1D000] =	vst v63  }
0x2e: {  	_ =	swait.ge [sflag:s16], $0x3E80  }
0x2f: {  	[sflag:s16] =	ssyncset.done $0x0  }
0x30: {  	s18 =	sadd.s32 $0x2800, s18;
	[sflag:s16] =	ssyncadd.s32 $0xFFFFC180  }
0x31: {  	[spmem:s3] =	stream.indirect.scatter.add.f32 [tilespmem:s15], [sflag:$0x2], $0x80, s18, s14, $0xb8;
	[tilespmem:$0x1D000] =	vst v63  }
0x32: {  	_ =	swait.ge [sflag:s10], $0x3E80  }
0x33: {  	s17 =	sadd.s32 $0x1, s17;
	[sflag:s10] =	ssyncset.done $0x0  }
0x34: {  	p0 =	sne.s32 s17, s9;
	[sflag:s10] =	ssyncadd.s32 $0xFFFFC180  }
.Ltmp1:
0x35: {  	[bflag:$0x0] =	sbarrier.arrive $0xFFFF;
	(pc) =	sbr.rel @p0 .LBB2_1-.Ltmp1, $4  }
0x36: {  	[hbm:s8], [sflag:s12] =	dma.local [spmem:s13], $0x2800  }
0x37: {  	_ =	swait.ge [sflag:s10], $0x2800  }
0x38: {  	[sflag:s10] =	ssyncset.done $0x0  }
0x39: {  	[sflag:s10] =	ssyncadd.s32 $0xFFFFD800  }
0x3a: {  	_ =	sfence.sel $0x180000  }
0x3b: {  	[bflag:$0x0] =	sbarrier.arrive $0xFFFF  }
0x3c: {  	p0 =	sne.s32 s0, $0x0;
	_ =	strace $0x90000050  }
0x3d: {  	s0 =	sadd.s32 @!p0 $0x100000, s1;
	[bflag:$0x2] =	sbarrier.arrive $0xFFFF  }
0x3e: {  	[sflag:s0] =	ssyncadd.tile.s32 @!p0 $0x1;
	_ =	shalt  }
.Lfunc_end2:
_tile_overlayer_lowered:
.L_overlay_start_2:
0x3f: {  	(tag) =	ssettag $0x2  }
0x40: {  	s0 =	rddreg [dreg:$0x0];
	s2 =	stileid.u32  }
0x41: {  	s1 =	rddreg [dreg:$0x1];
	p0 =	sne.s32 s2, $0x0  }
0x42: {  	s3 =	rddreg [dreg:$0x2];
	[bflag:$0x3] =	sbarrier.arrive $0xFFFF;
	s2 =	simm.s32 @!p0 $0x1C02  }
0x43: {  	[timem:s3], [sflag:s2] =	dma.local @!p0 [hbm:s0], s1  }
0x44: {  	s0 =	simm.s32 @!p0 $0x2  }
0x45: {  	_ =	swait.ge @!p0 [sflag:s0], s1  }
0x46: {  	s1 =	ssub.s32 @!p0 $0x0, s1;
	[sflag:s0] =	ssyncset.done @!p0 $0x0  }
0x47: {  	[sflag:s0] =	ssyncadd.s32 @!p0 s1  }
0x48: {  	[bflag:$0x3] =	sbarrier.arrive $0xFFFF  }
0x49: {  	_ =	shalt  }

</sc_bundles>
